<compile_context>
chip_gen: v7x
topology: tpu7x:2x2x1
jax: 0.10.2.dev20260603
libtpu: 0.0.44.dev20260713+nightly
codegen_flags: <defaults>
</compile_context>

<pallas_src>
import functools

import jax
import jax.numpy as jnp
from jax import lax
from jax.experimental import pallas as pl
from jax.experimental.pallas import tpu as pltpu
from jax.experimental.pallas import tpu_sc as plsc

B = 4
Q = 2048
N = 8192
C = 256
S = 32
R2 = float(0.1 * 0.1)

NC = 2
NS = 16
NW = NC * NS

QPW = (B * Q) // NW
WPB = Q // QPW
CPW = C // NW
NCHUNK = N // 16

_mesh = plsc.VectorSubcoreMesh(core_axis_name="c", subcore_axis_name="s")


def _ballquery_body(sup_hbm, q_hbm, idx_hbm, gxyz_hbm,
                    supp_raw, supp_v, q_v, selbuf, idxout, xyzout):
    wid = lax.axis_index("s") * NC + lax.axis_index("c")
    b = wid // WPB
    qs = (wid % WPB) * QPW

    pltpu.sync_copy(sup_hbm.at[pl.ds(b * 3 * N, 3 * N)], supp_raw)
    pltpu.sync_copy(q_hbm.at[pl.ds((b * Q + qs) * 3, QPW * 3)], q_v)

    iota = jnp.arange(16, dtype=jnp.int32)
    zeros16 = jnp.zeros((16,), jnp.int32)
    t3 = iota * 3

    @plsc.parallel_loop(0, NCHUNK, unroll=8)
    def deinterleave(j):
        i3 = jnp.full((16,), j * 48, jnp.int32) + t3
        supp_v[pl.ds(j * 16, 16)] = plsc.load_gather(supp_raw, [i3])
        supp_v[pl.ds(N + j * 16, 16)] = plsc.load_gather(supp_raw, [i3 + 1])
        supp_v[pl.ds(2 * N + j * 16, 16)] = plsc.load_gather(supp_raw, [i3 + 2])

    def qsplat(off):
        return plsc.load_gather(q_v, [jnp.full((16,), off, jnp.int32)])

    def finish(qq, cnt, base, qx, qy, qz):
        b0 = selbuf[pl.ds(base, 16)]
        b1 = selbuf[pl.ds(base + 16, 16)]
        first = jnp.full((16,), jnp.max(jnp.where(iota < 1, b0, 0)), jnp.int32)
        id0 = jnp.where(iota < cnt, b0, first)
        id1 = jnp.where((iota + 16) < cnt, b1, first)

        idxout[pl.ds(qq * S, 16)] = id0
        idxout[pl.ds(qq * S + 16, 16)] = id1

        gx0 = plsc.load_gather(supp_v, [id0]) - qx
        gx1 = plsc.load_gather(supp_v, [id1]) - qx
        gy0 = plsc.load_gather(supp_v, [id0 + N]) - qy
        gy1 = plsc.load_gather(supp_v, [id1 + N]) - qy
        gz0 = plsc.load_gather(supp_v, [id0 + 2 * N]) - qz
        gz1 = plsc.load_gather(supp_v, [id1 + 2 * N]) - qz

        xyzout[pl.ds(qq * S, 16)] = gx0
        xyzout[pl.ds(qq * S + 16, 16)] = gx1
        xyzout[pl.ds(QPW * S + qq * S, 16)] = gy0
        xyzout[pl.ds(QPW * S + qq * S + 16, 16)] = gy1
        xyzout[pl.ds(2 * QPW * S + qq * S, 16)] = gz0
        xyzout[pl.ds(2 * QPW * S + qq * S + 16, 16)] = gz1

    def per_pair(qp, carry):
        qq0 = qp * 2
        qq1 = qq0 + 1
        qx0 = qsplat(qq0 * 3)
        qy0 = qsplat(qq0 * 3 + 1)
        qz0 = qsplat(qq0 * 3 + 2)
        qx1 = qsplat(qq1 * 3)
        qy1 = qsplat(qq1 * 3 + 1)
        qz1 = qsplat(qq1 * 3 + 2)

        selbuf[pl.ds(0, 16)] = zeros16
        selbuf[pl.ds(48, 16)] = zeros16

        @plsc.parallel_loop(0, NCHUNK, unroll=8, carry=(zeros16, zeros16))
        def scan_chunks(j, cnts):
            cnt0, cnt1 = cnts
            xs = supp_v[pl.ds(j * 16, 16)]
            ys = supp_v[pl.ds(N + j * 16, 16)]
            zs = supp_v[pl.ds(2 * N + j * 16, 16)]
            idxv = jnp.full((16,), j * 16, jnp.int32) + iota

            dx = xs - qx0
            dy = ys - qy0
            dz = zs - qz0
            d2 = (dx * dx + dy * dy) + dz * dz
            m0 = d2 < R2
            pre0 = plsc.cumsum(m0.astype(jnp.int32))
            slot0 = cnt0 + pre0 - 1
            wm0 = jnp.logical_and(m0, slot0 < 48)
            plsc.store_scatter(selbuf, [slot0], idxv, mask=wm0)

            ex = xs - qx1
            ey = ys - qy1
            ez = zs - qz1
            e2 = (ex * ex + ey * ey) + ez * ez
            m1 = e2 < R2
            pre1 = plsc.cumsum(m1.astype(jnp.int32))
            slot1 = cnt1 + pre1 - 1
            wm1 = jnp.logical_and(m1, slot1 < 48)
            plsc.store_scatter(selbuf, [slot1 + 48], idxv, mask=wm1)

            return (cnt0 + plsc.all_reduce_population_count(m0),
                    cnt1 + plsc.all_reduce_population_count(m1))

        cnt0, cnt1 = scan_chunks
        finish(qq0, cnt0, 0, qx0, qy0, qz0)
        finish(qq1, cnt1, 48, qx1, qy1, qz1)
        return carry

    lax.fori_loop(0, QPW // 2, per_pair, jnp.int32(0))

    pltpu.sync_copy(idxout, idx_hbm.at[pl.ds((b * Q + qs) * S, QPW * S)])
    for d in range(3):
        pltpu.sync_copy(
            xyzout.at[pl.ds(d * QPW * S, QPW * S)],
            gxyz_hbm.at[pl.ds(((b * 3 + d) * Q + qs) * S, QPW * S)],
        )


_cparams = pltpu.CompilerParams(needs_layout_passes=False)

_ballquery = functools.partial(
    pl.kernel,
    mesh=_mesh,
    compiler_params=_cparams,
    out_type=[
        jax.ShapeDtypeStruct((B * Q * S,), jnp.int32),
        jax.ShapeDtypeStruct((B * 3 * Q * S,), jnp.float32),
    ],
    scratch_types=[
        pltpu.VMEM((3 * N,), jnp.float32),
        pltpu.VMEM((3 * N,), jnp.float32),
        pltpu.VMEM((QPW * 3,), jnp.float32),
        pltpu.VMEM((96,), jnp.int32),
        pltpu.VMEM((QPW * S,), jnp.int32),
        pltpu.VMEM((3 * QPW * S,), jnp.float32),
    ],
)(_ballquery_body)


def _group_body(feat_hbm, idx_hbm, out_hbm, idx_v, feat_v, out_v):
    wid = lax.axis_index("s") * NC + lax.axis_index("c")

    def per_batch(b, carry):
        pltpu.sync_copy(idx_hbm.at[pl.ds(b * Q * S, Q * S)], idx_v)

        def per_chan(c, carry2):
            ch = wid * CPW + c
            pltpu.sync_copy(
                feat_hbm.at[pl.ds((b * C + ch) * N, N)], feat_v)

            def per_qchunk(qc, carry3):
                @plsc.parallel_loop(0, 1024, unroll=16)
                def per_query(q):
                    off = (qc * 1024 + q) * S
                    i0 = idx_v[pl.ds(off, 16)]
                    i1 = idx_v[pl.ds(off + 16, 16)]
                    out_v[pl.ds(q * S, 16)] = plsc.load_gather(feat_v, [i0])
                    out_v[pl.ds(q * S + 16, 16)] = plsc.load_gather(feat_v, [i1])

                pltpu.sync_copy(
                    out_v,
                    out_hbm.at[pl.ds(((b * C + ch) * Q + qc * 1024) * S,
                                     1024 * S)],
                )
                return carry3

            lax.fori_loop(0, Q // 1024, per_qchunk, jnp.int32(0))
            return carry2

        lax.fori_loop(0, CPW, per_chan, jnp.int32(0))
        return carry

    lax.fori_loop(0, B, per_batch, jnp.int32(0))


_group = functools.partial(
    pl.kernel,
    mesh=_mesh,
    compiler_params=_cparams,
    out_type=jax.ShapeDtypeStruct((B * C * Q * S,), jnp.float32),
    scratch_types=[
        pltpu.VMEM((Q * S,), jnp.int32),
        pltpu.VMEM((N,), jnp.float32),
        pltpu.VMEM((1024 * S,), jnp.float32),
    ],
)(_group_body)


@jax.jit
def kernel(query_xyz, support_xyz, features):
    sup_flat = support_xyz.reshape(-1)
    q_flat = query_xyz.reshape(-1)
    idx_flat, gxyz_flat = _ballquery(sup_flat, q_flat)
    gfeat_flat = _group(features.reshape(-1), idx_flat)
    grouped_xyz = gxyz_flat.reshape(B, 3, Q, S)
    grouped_features = gfeat_flat.reshape(B, C, Q, S)
    return grouped_xyz, grouped_features

# --- scband reference (transcript-rebuilt; emitter-appended) ---
"""Pipeline reference for scband-query-and-group-1468878815324 (READ-ONLY COPY).

The authoritative reference and input builder live on the scoring server;
editing this copy changes nothing except your own understanding.
"""

import jax, jax.numpy as jnp
import numpy as np

RADIUS = 0.1
NSAMPLE = 32


def setup_inputs(seed: int = 0) -> dict:
    key = jax.random.key(seed)
    k1, k2, k3 = jax.random.split(key, 3)
    query_xyz = jax.random.uniform(k1, (4, 2048, 3), dtype=jnp.float32)
    support_xyz = jax.random.uniform(k2, (4, 8192, 3), dtype=jnp.float32)
    features = jax.random.normal(k3, (4, 256, 8192), dtype=jnp.float32)
    return {"query_xyz": query_xyz, "support_xyz": support_xyz, "features": features}


def ball_query(radius, nsample, xyz, new_xyz):
    # xyz: (B, N, 3) support points; new_xyz: (B, npoint, 3) query centers
    # Faithful to the CUDA kernel: scan support points in index order, keep the
    # first `nsample` points with squared distance < radius^2; if fewer than
    # nsample are found, remaining slots are filled with the FIRST found index;
    # if none are found, the row stays 0.
    B, N, _ = xyz.shape
    d2 = jnp.sum((new_xyz[:, :, None, :] - xyz[:, None, :, :]) ** 2, axis=-1)  # (B, npoint, N)
    mask = d2 < (radius * radius)
    ar = jnp.arange(N, dtype=jnp.int32)
    cand = jnp.where(mask, ar[None, None, :], jnp.int32(N))
    sorted_idx = jnp.sort(cand, axis=-1)[..., :nsample]  # valid indices first, in scan order
    first = sorted_idx[..., :1]
    first = jnp.where(first == N, jnp.int32(0), first)
    idx = jnp.where(sorted_idx == N, first, sorted_idx)
    return idx.astype(jnp.int32)


def grouping_operation(features, idx):
    # features: (B, C, N); idx: (B, npoint, nsample) -> (B, C, npoint, nsample)
    B, C, N = features.shape
    npoint, nsample = idx.shape[1], idx.shape[2]
    idx_flat = idx.reshape(B, 1, npoint * nsample).astype(jnp.int32)
    idx_b = jnp.broadcast_to(idx_flat, (B, C, npoint * nsample))
    gathered = jnp.take_along_axis(features, idx_b, axis=2)
    return gathered.reshape(B, C, npoint, nsample)


def reference(query_xyz, support_xyz, features):
    idx = ball_query(RADIUS, NSAMPLE, support_xyz, query_xyz)
    xyz_trans = jnp.transpose(support_xyz, (0, 2, 1))  # (B, 3, N)
    grouped_xyz = grouping_operation(xyz_trans, idx)  # (B, 3, npoint, nsample)
    # relative_xyz=True
    grouped_xyz = grouped_xyz - jnp.transpose(query_xyz, (0, 2, 1))[..., None]
    # normalize_dp=False -> no division by radius
    grouped_features = grouping_operation(features, idx)  # (B, C, npoint, nsample)
    return grouped_xyz, grouped_features

if __name__ == "__main__":
    import jax
    _d = setup_inputs()
    print(jax.jit(kernel)(*tuple(_d.values())))

</pallas_src>

<mosaic_0001>
#map = affine_map<(d0, d1) -> (0)>
module attributes {stable_mosaic.version = 14 : i64} {
  func.func @_ballquery_body(%arg0: i32, %arg1: i32, %arg2: memref<98304xf32, #tpu.memory_space<hbm>>, %arg3: memref<24576xf32, #tpu.memory_space<hbm>>, %arg4: memref<262144xi32, #tpu.memory_space<hbm>>, %arg5: memref<786432xf32, #tpu.memory_space<hbm>>, %arg6: memref<24576xf32, #tpu.memory_space<vmem>>, %arg7: memref<24576xf32, #tpu.memory_space<vmem>>, %arg8: memref<768xf32, #tpu.memory_space<vmem>>, %arg9: memref<96xi32, #tpu.memory_space<vmem>>, %arg10: memref<8192xi32, #tpu.memory_space<vmem>>, %arg11: memref<24576xf32, #tpu.memory_space<vmem>>) attributes {dimension_semantics = [#tpu.dimension_semantics<core_parallel>, #tpu.dimension_semantics<subcore_parallel>], iteration_bounds = array<i64: 2, 16>, scalar_prefetch = 0 : i64, scratch_operands = 6 : i64, tpu.core_type = #tpu.core_type<sc_vector_subcore>, window_params = [{transform_indices = #map}, {transform_indices = #map}, {transform_indices = #map}, {transform_indices = #map}]} {
    %mul3A = arith.constant 2 : i32
    %mul3A_0 = arith.muli %arg1, %mul3A : i32
    %add3A = arith.addi %mul3A_0, %arg0 : i32
    %jit3A = arith.constant 8 : i32
    %div3A = arith.divsi %add3A, %jit3A : i32
    %sign3A = arith.constant 0 : i32
    %sign3A_1 = arith.cmpi sgt, %add3A, %sign3A : i32
    %sign3A_2 = arith.extui %sign3A_1 : i1 to i32
    %sign3A_3 = arith.constant 0 : i32
    %sign3A_4 = arith.cmpi slt, %add3A, %sign3A_3 : i32
    %sign3A_5 = arith.extui %sign3A_4 : i1 to i32
    %sign3A_6 = arith.subi %sign3A_2, %sign3A_5 : i32
    %sign3A_7 = arith.constant 0 : i32
    %sign3A_8 = arith.cmpi sgt, %jit3A, %sign3A_7 : i32
    %sign3A_9 = arith.extui %sign3A_8 : i1 to i32
    %sign3A_10 = arith.constant 0 : i32
    %sign3A_11 = arith.cmpi slt, %jit3A, %sign3A_10 : i32
    %sign3A_12 = arith.extui %sign3A_11 : i1 to i32
    %sign3A_13 = arith.subi %sign3A_9, %sign3A_12 : i32
    %ne3A = arith.cmpi ne, %sign3A_6, %sign3A_13 : i32
    %rem3A = arith.remsi %add3A, %jit3A : i32
    %ne3A_14 = arith.constant 0 : i32
    %ne3A_15 = arith.cmpi ne, %rem3A, %ne3A_14 : i32
    %and3A = arith.andi %ne3A, %ne3A_15 : i1
    %sub3A = arith.constant 1 : i32
    %sub3A_16 = arith.subi %div3A, %sub3A : i32
    %select_n3A = arith.select %and3A, %sub3A_16, %div3A : i32
    %jit3A_17 = arith.constant 8 : i32
    %eq3A = arith.constant 0 : i32
    %eq3A_18 = arith.cmpi eq, %jit3A_17, %eq3A : i32
    %jit3A_19 = arith.constant 1 : i32
    %select_n3A_20 = arith.select %eq3A_18, %jit3A_19, %jit3A_17 : i32
    %rem3A_21 = arith.remsi %add3A, %select_n3A_20 : i32
    %ne3A_22 = arith.constant 0 : i32
    %ne3A_23 = arith.cmpi ne, %rem3A_21, %ne3A_22 : i32
    %lt3A = arith.constant 0 : i32
    %lt3A_24 = arith.cmpi slt, %rem3A_21, %lt3A : i32
    %lt3A_25 = arith.constant 0 : i32
    %lt3A_26 = arith.cmpi slt, %select_n3A_20, %lt3A_25 : i32
    %ne3A_27 = arith.xori %lt3A_24, %lt3A_26 : i1
    %and3A_28 = arith.andi %ne3A_27, %ne3A_23 : i1
    %add3A_29 = arith.addi %rem3A_21, %select_n3A_20 : i32
    %select_n3A_30 = arith.select %and3A_28, %add3A_29, %rem3A_21 : i32
    %mul3A_31 = arith.constant 256 : i32
    %mul3A_32 = arith.muli %select_n3A_30, %mul3A_31 : i32
    %mul3A_33 = arith.constant 3 : i32
    %mul3A_34 = arith.muli %select_n3A, %mul3A_33 : i32
    %mul3A_35 = arith.constant 8192 : i32
    %mul3A_36 = arith.muli %mul3A_34, %mul3A_35 : i32
    "tpu.region"() ({
      %run_scoped3A = tpu.sem_alloc : memref<!tpu.dma_semaphore, #tpu.memory_space<semaphore_mem>>
      %dma_start3A = tpu.memref_slice %arg2[%mul3A_36] : memref<98304xf32, #tpu.memory_space<hbm>> -> memref<24576xf32, #tpu.memory_space<hbm>>
      %dma_start3A_85 = tpu.memref_slice %arg2[%mul3A_36] : memref<98304xf32, #tpu.memory_space<hbm>> -> memref<24576xf32, #tpu.memory_space<hbm>>
      tpu.enqueue_dma source(%dma_start3A_85 : memref<24576xf32, #tpu.memory_space<hbm>>) target(%arg6 : memref<24576xf32, #tpu.memory_space<vmem>>) target_semaphore(%run_scoped3A : memref<!tpu.dma_semaphore, #tpu.memory_space<semaphore_mem>>)
      %dma_wait3A = tpu.memref_slice %arg2[%mul3A_36] : memref<98304xf32, #tpu.memory_space<hbm>> -> memref<24576xf32, #tpu.memory_space<hbm>>
      %dma_wait3A_86 = tpu.memref_slice %arg2[%mul3A_36] : memref<98304xf32, #tpu.memory_space<hbm>> -> memref<24576xf32, #tpu.memory_space<hbm>>
      tpu.wait_dma2 semaphore(%run_scoped3A : memref<!tpu.dma_semaphore, #tpu.memory_space<semaphore_mem>>) src(%dma_wait3A_86 : memref<24576xf32, #tpu.memory_space<hbm>>) dst(%arg6 : memref<24576xf32, #tpu.memory_space<vmem>>)
      tpu.yield
    }) : () -> ()
    %mul3A_37 = arith.constant 2048 : i32
    %mul3A_38 = arith.muli %select_n3A, %mul3A_37 : i32
    %add3A_39 = arith.addi %mul3A_38, %mul3A_32 : i32
    %mul3A_40 = arith.constant 3 : i32
    %mul3A_41 = arith.muli %add3A_39, %mul3A_40 : i32
    "tpu.region"() ({
      %run_scoped3A = tpu.sem_alloc : memref<!tpu.dma_semaphore, #tpu.memory_space<semaphore_mem>>
      %dma_start3A = tpu.memref_slice %arg3[%mul3A_41] : memref<24576xf32, #tpu.memory_space<hbm>> -> memref<768xf32, #tpu.memory_space<hbm>>
      %dma_start3A_85 = tpu.memref_slice %arg3[%mul3A_41] : memref<24576xf32, #tpu.memory_space<hbm>> -> memref<768xf32, #tpu.memory_space<hbm>>
      tpu.enqueue_dma source(%dma_start3A_85 : memref<768xf32, #tpu.memory_space<hbm>>) target(%arg8 : memref<768xf32, #tpu.memory_space<vmem>>) target_semaphore(%run_scoped3A : memref<!tpu.dma_semaphore, #tpu.memory_space<semaphore_mem>>)
      %dma_wait3A = tpu.memref_slice %arg3[%mul3A_41] : memref<24576xf32, #tpu.memory_space<hbm>> -> memref<768xf32, #tpu.memory_space<hbm>>
      %dma_wait3A_86 = tpu.memref_slice %arg3[%mul3A_41] : memref<24576xf32, #tpu.memory_space<hbm>> -> memref<768xf32, #tpu.memory_space<hbm>>
      tpu.wait_dma2 semaphore(%run_scoped3A : memref<!tpu.dma_semaphore, #tpu.memory_space<semaphore_mem>>) src(%dma_wait3A_86 : memref<768xf32, #tpu.memory_space<hbm>>) dst(%arg8 : memref<768xf32, #tpu.memory_space<vmem>>)
      tpu.yield
    }) : () -> ()
    %iota3A = tpu.iota {dimensions = array<i32: 0>} : vector<16xi32>
    %broadcast_in_dim3A = arith.constant 0 : i32
    %broadcast_in_dim3A_42 = vector.broadcast %broadcast_in_dim3A : i32 to vector<16xi32>
    %mul3A_43 = arith.constant 3 : i32
    %mul3A_44 = vector.broadcast %mul3A_43 : i32 to vector<16xi32>
    %mul3A_45 = arith.muli %iota3A, %mul3A_44 : vector<16xi32>
    %parallel_loop3A = arith.constant 0 : i32
    %parallel_loop3A_46 = arith.constant 512 : i32
    %parallel_loop3A_47 = arith.constant 1 : i32
    scf.for %parallel_loop3A_85 = %parallel_loop3A to %parallel_loop3A_46 step %parallel_loop3A_47  : i32 {
      %parallel_loop3A_86 = arith.constant 48 : i32
      %parallel_loop3A_87 = arith.muli %parallel_loop3A_85, %parallel_loop3A_86 : i32
      %parallel_loop3A_88 = vector.broadcast %parallel_loop3A_87 : i32 to vector<16xi32>
      %parallel_loop3A_89 = arith.addi %parallel_loop3A_88, %mul3A_45 : vector<16xi32>
      %parallel_loop3A_90 = tpu.vector_load_idx %arg6[%parallel_loop3A_89] : memref<24576xf32, #tpu.memory_space<vmem>>[vector<16xi32>], vector<16xf32>,
      %parallel_loop3A_91 = arith.constant 16 : i32
      %parallel_loop3A_92 = arith.muli %parallel_loop3A_85, %parallel_loop3A_91 : i32
      %parallel_loop3A_93 = arith.index_cast %parallel_loop3A_92 : i32 to index
      %parallel_loop3A_94 = tpu.vector_load %arg7[%parallel_loop3A_93] {strides = array<i32>} : memref<24576xf32, #tpu.memory_space<vmem>>, vector<16xf32>,
      tpu.vector_store %arg7[%parallel_loop3A_93], %parallel_loop3A_90 {strides = array<i32>} : memref<24576xf32, #tpu.memory_space<vmem>>, vector<16xf32>,
      %parallel_loop3A_95 = arith.constant 1 : i32
      %parallel_loop3A_96 = vector.broadcast %parallel_loop3A_95 : i32 to vector<16xi32>
      %parallel_loop3A_97 = arith.addi %parallel_loop3A_89, %parallel_loop3A_96 : vector<16xi32>
      %parallel_loop3A_98 = tpu.vector_load_idx %arg6[%parallel_loop3A_97] : memref<24576xf32, #tpu.memory_space<vmem>>[vector<16xi32>], vector<16xf32>,
      %parallel_loop3A_99 = arith.constant 16 : i32
      %parallel_loop3A_100 = arith.muli %parallel_loop3A_85, %parallel_loop3A_99 : i32
      %parallel_loop3A_101 = arith.constant 8192 : i32
      %parallel_loop3A_102 = arith.addi %parallel_loop3A_101, %parallel_loop3A_100 : i32
      %parallel_loop3A_103 = arith.index_cast %parallel_loop3A_102 : i32 to index
      %parallel_loop3A_104 = tpu.vector_load %arg7[%parallel_loop3A_103] {strides = array<i32>} : memref<24576xf32, #tpu.memory_space<vmem>>, vector<16xf32>,
      tpu.vector_store %arg7[%parallel_loop3A_103], %parallel_loop3A_98 {strides = array<i32>} : memref<24576xf32, #tpu.memory_space<vmem>>, vector<16xf32>,
      %parallel_loop3A_105 = arith.constant 2 : i32
      %parallel_loop3A_106 = vector.broadcast %parallel_loop3A_105 : i32 to vector<16xi32>
      %parallel_loop3A_107 = arith.addi %parallel_loop3A_89, %parallel_loop3A_106 : vector<16xi32>
      %parallel_loop3A_108 = tpu.vector_load_idx %arg6[%parallel_loop3A_107] : memref<24576xf32, #tpu.memory_space<vmem>>[vector<16xi32>], vector<16xf32>,
      %parallel_loop3A_109 = arith.constant 16 : i32
      %parallel_loop3A_110 = arith.muli %parallel_loop3A_85, %parallel_loop3A_109 : i32
      %parallel_loop3A_111 = arith.constant 16384 : i32
      %parallel_loop3A_112 = arith.addi %parallel_loop3A_111, %parallel_loop3A_110 : i32
      %parallel_loop3A_113 = arith.index_cast %parallel_loop3A_112 : i32 to index
      %parallel_loop3A_114 = tpu.vector_load %arg7[%parallel_loop3A_113] {strides = array<i32>} : memref<24576xf32, #tpu.memory_space<vmem>>, vector<16xf32>,
      tpu.vector_store %arg7[%parallel_loop3A_113], %parallel_loop3A_108 {strides = array<i32>} : memref<24576xf32, #tpu.memory_space<vmem>>, vector<16xf32>,
    } {sc.loop_unroll_factor = 8 : i64, sc.parallel_access}
    %scan3A = arith.constant 0 : i32
    %scan3A_48 = arith.constant 0 : i32
    %scan3A_49 = arith.constant 128 : i32
    %scan3A_50 = arith.addi %scan3A_48, %scan3A_49 : i32
    %scan3A_51 = arith.constant 1 : i32
    scf.for %scan3A_85 = %scan3A_48 to %scan3A_50 step %scan3A_51  : i32 {
      %mul3A_86 = arith.constant 2 : i32
      %mul3A_87 = arith.muli %scan3A_85, %mul3A_86 : i32
      %add3A_88 = arith.constant 1 : i32
      %add3A_89 = arith.addi %mul3A_87, %add3A_88 : i32
      %mul3A_90 = arith.constant 3 : i32
      %mul3A_91 = arith.muli %mul3A_87, %mul3A_90 : i32
      %broadcast_in_dim3A_92 = vector.broadcast %mul3A_91 : i32 to vector<16xi32>
      %gather3A = tpu.vector_load_idx %arg8[%broadcast_in_dim3A_92] : memref<768xf32, #tpu.memory_space<vmem>>[vector<16xi32>], vector<16xf32>,
      %mul3A_93 = arith.constant 3 : i32
      %mul3A_94 = arith.muli %mul3A_87, %mul3A_93 : i32
      %add3A_95 = arith.constant 1 : i32
      %add3A_96 = arith.addi %mul3A_94, %add3A_95 : i32
      %broadcast_in_dim3A_97 = vector.broadcast %add3A_96 : i32 to vector<16xi32>
      %gather3A_98 = tpu.vector_load_idx %arg8[%broadcast_in_dim3A_97] : memref<768xf32, #tpu.memory_space<vmem>>[vector<16xi32>], vector<16xf32>,
      %mul3A_99 = arith.constant 3 : i32
      %mul3A_100 = arith.muli %mul3A_87, %mul3A_99 : i32
      %add3A_101 = arith.constant 2 : i32
      %add3A_102 = arith.addi %mul3A_100, %add3A_101 : i32
      %broadcast_in_dim3A_103 = vector.broadcast %add3A_102 : i32 to vector<16xi32>
      %gather3A_104 = tpu.vector_load_idx %arg8[%broadcast_in_dim3A_103] : memref<768xf32, #tpu.memory_space<vmem>>[vector<16xi32>], vector<16xf32>,
      %mul3A_105 = arith.constant 3 : i32
      %mul3A_106 = arith.muli %add3A_89, %mul3A_105 : i32
      %broadcast_in_dim3A_107 = vector.broadcast %mul3A_106 : i32 to vector<16xi32>
      %gather3A_108 = tpu.vector_load_idx %arg8[%broadcast_in_dim3A_107] : memref<768xf32, #tpu.memory_space<vmem>>[vector<16xi32>], vector<16xf32>,
      %mul3A_109 = arith.constant 3 : i32
      %mul3A_110 = arith.muli %add3A_89, %mul3A_109 : i32
      %add3A_111 = arith.constant 1 : i32
      %add3A_112 = arith.addi %mul3A_110, %add3A_111 : i32
      %broadcast_in_dim3A_113 = vector.broadcast %add3A_112 : i32 to vector<16xi32>
      %gather3A_114 = tpu.vector_load_idx %arg8[%broadcast_in_dim3A_113] : memref<768xf32, #tpu.memory_space<vmem>>[vector<16xi32>], vector<16xf32>,
      %mul3A_115 = arith.constant 3 : i32
      %mul3A_116 = arith.muli %add3A_89, %mul3A_115 : i32
      %add3A_117 = arith.constant 2 : i32
      %add3A_118 = arith.addi %mul3A_116, %add3A_117 : i32
      %broadcast_in_dim3A_119 = vector.broadcast %add3A_118 : i32 to vector<16xi32>
      %gather3A_120 = tpu.vector_load_idx %arg8[%broadcast_in_dim3A_119] : memref<768xf32, #tpu.memory_space<vmem>>[vector<16xi32>], vector<16xf32>,
      %swap3A = arith.constant 0 : index
      %swap3A_121 = tpu.vector_load %arg9[%swap3A] {strides = array<i32>} : memref<96xi32, #tpu.memory_space<vmem>>, vector<16xi32>,
      tpu.vector_store %arg9[%swap3A], %broadcast_in_dim3A_42 {strides = array<i32>} : memref<96xi32, #tpu.memory_space<vmem>>, vector<16xi32>,
      %swap3A_122 = arith.constant 48 : index
      %swap3A_123 = tpu.vector_load %arg9[%swap3A_122] {strides = array<i32>} : memref<96xi32, #tpu.memory_space<vmem>>, vector<16xi32>,
      tpu.vector_store %arg9[%swap3A_122], %broadcast_in_dim3A_42 {strides = array<i32>} : memref<96xi32, #tpu.memory_space<vmem>>, vector<16xi32>,
      %parallel_loop3A_124 = arith.constant 0 : i32
      %parallel_loop3A_125 = arith.constant 512 : i32
      %parallel_loop3A_126 = arith.constant 1 : i32
      %parallel_loop3A_127:2 = scf.for %parallel_loop3A_322 = %parallel_loop3A_124 to %parallel_loop3A_125 step %parallel_loop3A_126 iter_args(%parallel_loop3A_323 = %broadcast_in_dim3A_42, %parallel_loop3A_324 = %broadcast_in_dim3A_42) -> (vector<16xi32>, vector<16xi32>)  : i32 {
        %parallel_loop3A_325 = arith.constant 16 : i32
        %parallel_loop3A_326 = arith.muli %parallel_loop3A_322, %parallel_loop3A_325 : i32
        %parallel_loop3A_327 = arith.index_cast %parallel_loop3A_326 : i32 to index
        %parallel_loop3A_328 = tpu.vector_load %arg7[%parallel_loop3A_327] {strides = array<i32>} : memref<24576xf32, #tpu.memory_space<vmem>>, vector<16xf32>,
        %parallel_loop3A_329 = arith.constant 16 : i32
        %parallel_loop3A_330 = arith.muli %parallel_loop3A_322, %parallel_loop3A_329 : i32
        %parallel_loop3A_331 = arith.constant 8192 : i32
        %parallel_loop3A_332 = arith.addi %parallel_loop3A_331, %parallel_loop3A_330 : i32
        %parallel_loop3A_333 = arith.index_cast %parallel_loop3A_332 : i32 to index
        %parallel_loop3A_334 = tpu.vector_load %arg7[%parallel_loop3A_333] {strides = array<i32>} : memref<24576xf32, #tpu.memory_space<vmem>>, vector<16xf32>,
        %parallel_loop3A_335 = arith.constant 16 : i32
        %parallel_loop3A_336 = arith.muli %parallel_loop3A_322, %parallel_loop3A_335 : i32
        %parallel_loop3A_337 = arith.constant 16384 : i32
        %parallel_loop3A_338 = arith.addi %parallel_loop3A_337, %parallel_loop3A_336 : i32
        %parallel_loop3A_339 = arith.index_cast %parallel_loop3A_338 : i32 to index
        %parallel_loop3A_340 = tpu.vector_load %arg7[%parallel_loop3A_339] {strides = array<i32>} : memref<24576xf32, #tpu.memory_space<vmem>>, vector<16xf32>,
        %parallel_loop3A_341 = arith.constant 16 : i32
        %parallel_loop3A_342 = arith.muli %parallel_loop3A_322, %parallel_loop3A_341 : i32
        %parallel_loop3A_343 = vector.broadcast %parallel_loop3A_342 : i32 to vector<16xi32>
        %parallel_loop3A_344 = arith.addi %parallel_loop3A_343, %iota3A : vector<16xi32>
        %parallel_loop3A_345 = arith.subf %parallel_loop3A_328, %gather3A : vector<16xf32>
        %parallel_loop3A_346 = arith.subf %parallel_loop3A_334, %gather3A_98 : vector<16xf32>
        %parallel_loop3A_347 = arith.subf %parallel_loop3A_340, %gather3A_104 : vector<16xf32>
        %parallel_loop3A_348 = arith.mulf %parallel_loop3A_345, %parallel_loop3A_345 : vector<16xf32>
        %parallel_loop3A_349 = arith.mulf %parallel_loop3A_346, %parallel_loop3A_346 : vector<16xf32>
        %parallel_loop3A_350 = arith.addf %parallel_loop3A_348, %parallel_loop3A_349 : vector<16xf32>
        %parallel_loop3A_351 = arith.mulf %parallel_loop3A_347, %parallel_loop3A_347 : vector<16xf32>
        %parallel_loop3A_352 = arith.addf %parallel_loop3A_350, %parallel_loop3A_351 : vector<16xf32>
        %parallel_loop3A_353 = arith.constant 0.00999999977 : f32
        %parallel_loop3A_354 = vector.broadcast %parallel_loop3A_353 : f32 to vector<16xf32>
        %parallel_loop3A_355 = arith.cmpf olt, %parallel_loop3A_352, %parallel_loop3A_354 : vector<16xf32>
        %parallel_loop3A_356 = arith.extui %parallel_loop3A_355 : vector<16xi1> to vector<16xi32>
        %parallel_loop3A_357 = arith.constant true
        %parallel_loop3A_358 = vector.broadcast %parallel_loop3A_357 : i1 to vector<16xi1>
        %parallel_loop3A_359 = tpu.scan <sum>, %parallel_loop3A_356 masked %parallel_loop3A_358 : vector<16xi32>, vector<16xi1> -> vector<16xi32>
        %parallel_loop3A_360 = arith.addi %parallel_loop3A_323, %parallel_loop3A_359 : vector<16xi32>
        %parallel_loop3A_361 = arith.constant 1 : i32
        %parallel_loop3A_362 = vector.broadcast %parallel_loop3A_361 : i32 to vector<16xi32>
        %parallel_loop3A_363 = arith.subi %parallel_loop3A_360, %parallel_loop3A_362 : vector<16xi32>
        %parallel_loop3A_364 = arith.constant 48 : i32
        %parallel_loop3A_365 = vector.broadcast %parallel_loop3A_364 : i32 to vector<16xi32>
        %parallel_loop3A_366 = arith.cmpi slt, %parallel_loop3A_363, %parallel_loop3A_365 : vector<16xi32>
        %parallel_loop3A_367 = arith.andi %parallel_loop3A_355, %parallel_loop3A_366 : vector<16xi1>
        tpu.vector_store_idx %arg9[%parallel_loop3A_363], %parallel_loop3A_344 masked %parallel_loop3A_367 : memref<96xi32, #tpu.memory_space<vmem>>[vector<16xi32>], vector<16xi32>, vector<16xi1>
        %parallel_loop3A_368 = arith.subf %parallel_loop3A_328, %gather3A_108 : vector<16xf32>
        %parallel_loop3A_369 = arith.subf %parallel_loop3A_334, %gather3A_114 : vector<16xf32>
        %parallel_loop3A_370 = arith.subf %parallel_loop3A_340, %gather3A_120 : vector<16xf32>
        %parallel_loop3A_371 = arith.mulf %parallel_loop3A_368, %parallel_loop3A_368 : vector<16xf32>
        %parallel_loop3A_372 = arith.mulf %parallel_loop3A_369, %parallel_loop3A_369 : vector<16xf32>
        %parallel_loop3A_373 = arith.addf %parallel_loop3A_371, %parallel_loop3A_372 : vector<16xf32>
        %parallel_loop3A_374 = arith.mulf %parallel_loop3A_370, %parallel_loop3A_370 : vector<16xf32>
        %parallel_loop3A_375 = arith.addf %parallel_loop3A_373, %parallel_loop3A_374 : vector<16xf32>
        %parallel_loop3A_376 = arith.constant 0.00999999977 : f32
        %parallel_loop3A_377 = vector.broadcast %parallel_loop3A_376 : f32 to vector<16xf32>
        %parallel_loop3A_378 = arith.cmpf olt, %parallel_loop3A_375, %parallel_loop3A_377 : vector<16xf32>
        %parallel_loop3A_379 = arith.extui %parallel_loop3A_378 : vector<16xi1> to vector<16xi32>
        %parallel_loop3A_380 = arith.constant true
        %parallel_loop3A_381 = vector.broadcast %parallel_loop3A_380 : i1 to vector<16xi1>
        %parallel_loop3A_382 = tpu.scan <sum>, %parallel_loop3A_379 masked %parallel_loop3A_381 : vector<16xi32>, vector<16xi1> -> vector<16xi32>
        %parallel_loop3A_383 = arith.addi %parallel_loop3A_324, %parallel_loop3A_382 : vector<16xi32>
        %parallel_loop3A_384 = arith.constant 1 : i32
        %parallel_loop3A_385 = vector.broadcast %parallel_loop3A_384 : i32 to vector<16xi32>
        %parallel_loop3A_386 = arith.subi %parallel_loop3A_383, %parallel_loop3A_385 : vector<16xi32>
        %parallel_loop3A_387 = arith.constant 48 : i32
        %parallel_loop3A_388 = vector.broadcast %parallel_loop3A_387 : i32 to vector<16xi32>
        %parallel_loop3A_389 = arith.cmpi slt, %parallel_loop3A_386, %parallel_loop3A_388 : vector<16xi32>
        %parallel_loop3A_390 = arith.andi %parallel_loop3A_378, %parallel_loop3A_389 : vector<16xi1>
        %parallel_loop3A_391 = arith.constant 48 : i32
        %parallel_loop3A_392 = vector.broadcast %parallel_loop3A_391 : i32 to vector<16xi32>
        %parallel_loop3A_393 = arith.addi %parallel_loop3A_386, %parallel_loop3A_392 : vector<16xi32>
        tpu.vector_store_idx %arg9[%parallel_loop3A_393], %parallel_loop3A_344 masked %parallel_loop3A_390 : memref<96xi32, #tpu.memory_space<vmem>>[vector<16xi32>], vector<16xi32>, vector<16xi1>
        %parallel_loop3A_394 = tpu.all_reduce %parallel_loop3A_355 {dim = 0 : i64, kind = #tpu.reduction_kind<sum>} : vector<16xi1> -> vector<16xi32>
        %parallel_loop3A_395 = arith.addi %parallel_loop3A_323, %parallel_loop3A_394 : vector<16xi32>
        %parallel_loop3A_396 = tpu.all_reduce %parallel_loop3A_378 {dim = 0 : i64, kind = #tpu.reduction_kind<sum>} : vector<16xi1> -> vector<16xi32>
        %parallel_loop3A_397 = arith.addi %parallel_loop3A_324, %parallel_loop3A_396 : vector<16xi32>
        scf.yield %parallel_loop3A_395, %parallel_loop3A_397 : vector<16xi32>, vector<16xi32>
      } {sc.loop_unroll_factor = 8 : i64, sc.parallel_access}
      %get3A = arith.constant 0 : index
      %get3A_128 = tpu.vector_load %arg9[%get3A] {strides = array<i32>} : memref<96xi32, #tpu.memory_space<vmem>>, vector<16xi32>,
      %get3A_129 = arith.constant 16 : index
      %get3A_130 = tpu.vector_load %arg9[%get3A_129] {strides = array<i32>} : memref<96xi32, #tpu.memory_space<vmem>>, vector<16xi32>,
      %lt3A_131 = arith.constant 1 : i32
      %lt3A_132 = vector.broadcast %lt3A_131 : i32 to vector<16xi32>
      %lt3A_133 = arith.cmpi slt, %iota3A, %lt3A_132 : vector<16xi32>
      %jit3A_134 = arith.constant 0 : i32
      %broadcast_in_dim3A_135 = vector.broadcast %jit3A_134 : i32 to vector<16xi32>
      %select_n3A_136 = arith.select %lt3A_133, %get3A_128, %broadcast_in_dim3A_135 : vector<16xi1>, vector<16xi32>
      %reduce_max3A = arith.constant true
      %reduce_max3A_137 = vector.broadcast %reduce_max3A : i1 to vector<16xi1>
      %reduce_max3A_138 = arith.constant -2147483648 : i32
      %reduce_max3A_139 = vector.broadcast %reduce_max3A_138 : i32 to vector<16xi32>
      %reduce_max3A_140 = arith.xori %select_n3A_136, %reduce_max3A_139 : vector<16xi32>
      %reduce_max3A_141 = tpu.scan <max>, %reduce_max3A_140 masked %reduce_max3A_137 : vector<16xi32>, vector<16xi1> -> vector<16xi32>
      %reduce_max3A_142 = arith.xori %reduce_max3A_141, %reduce_max3A_139 : vector<16xi32>
      %reduce_max3A_143 = vector.extract %reduce_max3A_142[15] : i32 from vector<16xi32>
      %broadcast_in_dim3A_144 = vector.broadcast %reduce_max3A_143 : i32 to vector<16xi32>
      %lt3A_145 = arith.cmpi slt, %iota3A, %parallel_loop3A_127#0 : vector<16xi32>
      %select_n3A_146 = arith.select %lt3A_145, %get3A_128, %broadcast_in_dim3A_144 : vector<16xi1>, vector<16xi32>
      %add3A_147 = arith.constant 16 : i32
      %add3A_148 = vector.broadcast %add3A_147 : i32 to vector<16xi32>
      %add3A_149 = arith.addi %iota3A, %add3A_148 : vector<16xi32>
      %lt3A_150 = arith.cmpi slt, %add3A_149, %parallel_loop3A_127#0 : vector<16xi32>
      %select_n3A_151 = arith.select %lt3A_150, %get3A_130, %broadcast_in_dim3A_144 : vector<16xi1>, vector<16xi32>
      %mul3A_152 = arith.constant 32 : i32
      %mul3A_153 = arith.muli %mul3A_87, %mul3A_152 : i32
      %swap3A_154 = arith.index_cast %mul3A_153 : i32 to index
      %swap3A_155 = tpu.vector_load %arg10[%swap3A_154] {strides = array<i32>} : memref<8192xi32, #tpu.memory_space<vmem>>, vector<16xi32>,
      tpu.vector_store %arg10[%swap3A_154], %select_n3A_146 {strides = array<i32>} : memref<8192xi32, #tpu.memory_space<vmem>>, vector<16xi32>,
      %mul3A_156 = arith.constant 32 : i32
      %mul3A_157 = arith.muli %mul3A_87, %mul3A_156 : i32
      %add3A_158 = arith.constant 16 : i32
      %add3A_159 = arith.addi %mul3A_157, %add3A_158 : i32
      %swap3A_160 = arith.index_cast %add3A_159 : i32 to index
      %swap3A_161 = tpu.vector_load %arg10[%swap3A_160] {strides = array<i32>} : memref<8192xi32, #tpu.memory_space<vmem>>, vector<16xi32>,
      tpu.vector_store %arg10[%swap3A_160], %select_n3A_151 {strides = array<i32>} : memref<8192xi32, #tpu.memory_space<vmem>>, vector<16xi32>,
      %gather3A_162 = tpu.vector_load_idx %arg7[%select_n3A_146] : memref<24576xf32, #tpu.memory_space<vmem>>[vector<16xi32>], vector<16xf32>,
      %sub3A_163 = arith.subf %gather3A_162, %gather3A : vector<16xf32>
      %gather3A_164 = tpu.vector_load_idx %arg7[%select_n3A_151] : memref<24576xf32, #tpu.memory_space<vmem>>[vector<16xi32>], vector<16xf32>,
      %sub3A_165 = arith.subf %gather3A_164, %gather3A : vector<16xf32>
      %add3A_166 = arith.constant 8192 : i32
      %add3A_167 = vector.broadcast %add3A_166 : i32 to vector<16xi32>
      %add3A_168 = arith.addi %select_n3A_146, %add3A_167 : vector<16xi32>
      %gather3A_169 = tpu.vector_load_idx %arg7[%add3A_168] : memref<24576xf32, #tpu.memory_space<vmem>>[vector<16xi32>], vector<16xf32>,
      %sub3A_170 = arith.subf %gather3A_169, %gather3A_98 : vector<16xf32>
      %add3A_171 = arith.constant 8192 : i32
      %add3A_172 = vector.broadcast %add3A_171 : i32 to vector<16xi32>
      %add3A_173 = arith.addi %select_n3A_151, %add3A_172 : vector<16xi32>
      %gather3A_174 = tpu.vector_load_idx %arg7[%add3A_173] : memref<24576xf32, #tpu.memory_space<vmem>>[vector<16xi32>], vector<16xf32>,
      %sub3A_175 = arith.subf %gather3A_174, %gather3A_98 : vector<16xf32>
      %add3A_176 = arith.constant 16384 : i32
      %add3A_177 = vector.broadcast %add3A_176 : i32 to vector<16xi32>
      %add3A_178 = arith.addi %select_n3A_146, %add3A_177 : vector<16xi32>
      %gather3A_179 = tpu.vector_load_idx %arg7[%add3A_178] : memref<24576xf32, #tpu.memory_space<vmem>>[vector<16xi32>], vector<16xf32>,
      %sub3A_180 = arith.subf %gather3A_179, %gather3A_104 : vector<16xf32>
      %add3A_181 = arith.constant 16384 : i32
      %add3A_182 = vector.broadcast %add3A_181 : i32 to vector<16xi32>
      %add3A_183 = arith.addi %select_n3A_151, %add3A_182 : vector<16xi32>
      %gather3A_184 = tpu.vector_load_idx %arg7[%add3A_183] : memref<24576xf32, #tpu.memory_space<vmem>>[vector<16xi32>], vector<16xf32>,
      %sub3A_185 = arith.subf %gather3A_184, %gather3A_104 : vector<16xf32>
      %mul3A_186 = arith.constant 32 : i32
      %mul3A_187 = arith.muli %mul3A_87, %mul3A_186 : i32
      %swap3A_188 = arith.index_cast %mul3A_187 : i32 to index
      %swap3A_189 = tpu.vector_load %arg11[%swap3A_188] {strides = array<i32>} : memref<24576xf32, #tpu.memory_space<vmem>>, vector<16xf32>,
      tpu.vector_store %arg11[%swap3A_188], %sub3A_163 {strides = array<i32>} : memref<24576xf32, #tpu.memory_space<vmem>>, vector<16xf32>,
      %mul3A_190 = arith.constant 32 : i32
      %mul3A_191 = arith.muli %mul3A_87, %mul3A_190 : i32
      %add3A_192 = arith.constant 16 : i32
      %add3A_193 = arith.addi %mul3A_191, %add3A_192 : i32
      %swap3A_194 = arith.index_cast %add3A_193 : i32 to index
      %swap3A_195 = tpu.vector_load %arg11[%swap3A_194] {strides = array<i32>} : memref<24576xf32, #tpu.memory_space<vmem>>, vector<16xf32>,
      tpu.vector_store %arg11[%swap3A_194], %sub3A_165 {strides = array<i32>} : memref<24576xf32, #tpu.memory_space<vmem>>, vector<16xf32>,
      %mul3A_196 = arith.constant 32 : i32
      %mul3A_197 = arith.muli %mul3A_87, %mul3A_196 : i32
      %add3A_198 = arith.constant 8192 : i32
      %add3A_199 = arith.addi %add3A_198, %mul3A_197 : i32
      %swap3A_200 = arith.index_cast %add3A_199 : i32 to index
      %swap3A_201 = tpu.vector_load %arg11[%swap3A_200] {strides = array<i32>} : memref<24576xf32, #tpu.memory_space<vmem>>, vector<16xf32>,
      tpu.vector_store %arg11[%swap3A_200], %sub3A_170 {strides = array<i32>} : memref<24576xf32, #tpu.memory_space<vmem>>, vector<16xf32>,
      %mul3A_202 = arith.constant 32 : i32
      %mul3A_203 = arith.muli %mul3A_87, %mul3A_202 : i32
      %add3A_204 = arith.constant 8192 : i32
      %add3A_205 = arith.addi %add3A_204, %mul3A_203 : i32
      %add3A_206 = arith.constant 16 : i32
      %add3A_207 = arith.addi %add3A_205, %add3A_206 : i32
      %swap3A_208 = arith.index_cast %add3A_207 : i32 to index
      %swap3A_209 = tpu.vector_load %arg11[%swap3A_208] {strides = array<i32>} : memref<24576xf32, #tpu.memory_space<vmem>>, vector<16xf32>,
      tpu.vector_store %arg11[%swap3A_208], %sub3A_175 {strides = array<i32>} : memref<24576xf32, #tpu.memory_space<vmem>>, vector<16xf32>,
      %mul3A_210 = arith.constant 32 : i32
      %mul3A_211 = arith.muli %mul3A_87, %mul3A_210 : i32
      %add3A_212 = arith.constant 16384 : i32
      %add3A_213 = arith.addi %add3A_212, %mul3A_211 : i32
      %swap3A_214 = arith.index_cast %add3A_213 : i32 to index
      %swap3A_215 = tpu.vector_load %arg11[%swap3A_214] {strides = array<i32>} : memref<24576xf32, #tpu.memory_space<vmem>>, vector<16xf32>,
      tpu.vector_store %arg11[%swap3A_214], %sub3A_180 {strides = array<i32>} : memref<24576xf32, #tpu.memory_space<vmem>>, vector<16xf32>,
      %mul3A_216 = arith.constant 32 : i32
      %mul3A_217 = arith.muli %mul3A_87, %mul3A_216 : i32
      %add3A_218 = arith.constant 16384 : i32
      %add3A_219 = arith.addi %add3A_218, %mul3A_217 : i32
      %add3A_220 = arith.constant 16 : i32
      %add3A_221 = arith.addi %add3A_219, %add3A_220 : i32
      %swap3A_222 = arith.index_cast %add3A_221 : i32 to index
      %swap3A_223 = tpu.vector_load %arg11[%swap3A_222] {strides = array<i32>} : memref<24576xf32, #tpu.memory_space<vmem>>, vector<16xf32>,
      tpu.vector_store %arg11[%swap3A_222], %sub3A_185 {strides = array<i32>} : memref<24576xf32, #tpu.memory_space<vmem>>, vector<16xf32>,
      %get3A_224 = arith.constant 48 : index
      %get3A_225 = tpu.vector_load %arg9[%get3A_224] {strides = array<i32>} : memref<96xi32, #tpu.memory_space<vmem>>, vector<16xi32>,
      %get3A_226 = arith.constant 64 : index
      %get3A_227 = tpu.vector_load %arg9[%get3A_226] {strides = array<i32>} : memref<96xi32, #tpu.memory_space<vmem>>, vector<16xi32>,
      %lt3A_228 = arith.constant 1 : i32
      %lt3A_229 = vector.broadcast %lt3A_228 : i32 to vector<16xi32>
      %lt3A_230 = arith.cmpi slt, %iota3A, %lt3A_229 : vector<16xi32>
      %jit3A_231 = arith.constant 0 : i32
      %broadcast_in_dim3A_232 = vector.broadcast %jit3A_231 : i32 to vector<16xi32>
      %select_n3A_233 = arith.select %lt3A_230, %get3A_225, %broadcast_in_dim3A_232 : vector<16xi1>, vector<16xi32>
      %reduce_max3A_234 = arith.constant true
      %reduce_max3A_235 = vector.broadcast %reduce_max3A_234 : i1 to vector<16xi1>
      %reduce_max3A_236 = arith.constant -2147483648 : i32
      %reduce_max3A_237 = vector.broadcast %reduce_max3A_236 : i32 to vector<16xi32>
      %reduce_max3A_238 = arith.xori %select_n3A_233, %reduce_max3A_237 : vector<16xi32>
      %reduce_max3A_239 = tpu.scan <max>, %reduce_max3A_238 masked %reduce_max3A_235 : vector<16xi32>, vector<16xi1> -> vector<16xi32>
      %reduce_max3A_240 = arith.xori %reduce_max3A_239, %reduce_max3A_237 : vector<16xi32>
      %reduce_max3A_241 = vector.extract %reduce_max3A_240[15] : i32 from vector<16xi32>
      %broadcast_in_dim3A_242 = vector.broadcast %reduce_max3A_241 : i32 to vector<16xi32>
      %lt3A_243 = arith.cmpi slt, %iota3A, %parallel_loop3A_127#1 : vector<16xi32>
      %select_n3A_244 = arith.select %lt3A_243, %get3A_225, %broadcast_in_dim3A_242 : vector<16xi1>, vector<16xi32>
      %add3A_245 = arith.constant 16 : i32
      %add3A_246 = vector.broadcast %add3A_245 : i32 to vector<16xi32>
      %add3A_247 = arith.addi %iota3A, %add3A_246 : vector<16xi32>
      %lt3A_248 = arith.cmpi slt, %add3A_247, %parallel_loop3A_127#1 : vector<16xi32>
      %select_n3A_249 = arith.select %lt3A_248, %get3A_227, %broadcast_in_dim3A_242 : vector<16xi1>, vector<16xi32>
      %mul3A_250 = arith.constant 32 : i32
      %mul3A_251 = arith.muli %add3A_89, %mul3A_250 : i32
      %swap3A_252 = arith.index_cast %mul3A_251 : i32 to index
      %swap3A_253 = tpu.vector_load %arg10[%swap3A_252] {strides = array<i32>} : memref<8192xi32, #tpu.memory_space<vmem>>, vector<16xi32>,
      tpu.vector_store %arg10[%swap3A_252], %select_n3A_244 {strides = array<i32>} : memref<8192xi32, #tpu.memory_space<vmem>>, vector<16xi32>,
      %mul3A_254 = arith.constant 32 : i32
      %mul3A_255 = arith.muli %add3A_89, %mul3A_254 : i32
      %add3A_256 = arith.constant 16 : i32
      %add3A_257 = arith.addi %mul3A_255, %add3A_256 : i32
      %swap3A_258 = arith.index_cast %add3A_257 : i32 to index
      %swap3A_259 = tpu.vector_load %arg10[%swap3A_258] {strides = array<i32>} : memref<8192xi32, #tpu.memory_space<vmem>>, vector<16xi32>,
      tpu.vector_store %arg10[%swap3A_258], %select_n3A_249 {strides = array<i32>} : memref<8192xi32, #tpu.memory_space<vmem>>, vector<16xi32>,
      %gather3A_260 = tpu.vector_load_idx %arg7[%select_n3A_244] : memref<24576xf32, #tpu.memory_space<vmem>>[vector<16xi32>], vector<16xf32>,
      %sub3A_261 = arith.subf %gather3A_260, %gather3A_108 : vector<16xf32>
      %gather3A_262 = tpu.vector_load_idx %arg7[%select_n3A_249] : memref<24576xf32, #tpu.memory_space<vmem>>[vector<16xi32>], vector<16xf32>,
      %sub3A_263 = arith.subf %gather3A_262, %gather3A_108 : vector<16xf32>
      %add3A_264 = arith.constant 8192 : i32
      %add3A_265 = vector.broadcast %add3A_264 : i32 to vector<16xi32>
      %add3A_266 = arith.addi %select_n3A_244, %add3A_265 : vector<16xi32>
      %gather3A_267 = tpu.vector_load_idx %arg7[%add3A_266] : memref<24576xf32, #tpu.memory_space<vmem>>[vector<16xi32>], vector<16xf32>,
      %sub3A_268 = arith.subf %gather3A_267, %gather3A_114 : vector<16xf32>
      %add3A_269 = arith.constant 8192 : i32
      %add3A_270 = vector.broadcast %add3A_269 : i32 to vector<16xi32>
      %add3A_271 = arith.addi %select_n3A_249, %add3A_270 : vector<16xi32>
      %gather3A_272 = tpu.vector_load_idx %arg7[%add3A_271] : memref<24576xf32, #tpu.memory_space<vmem>>[vector<16xi32>], vector<16xf32>,
      %sub3A_273 = arith.subf %gather3A_272, %gather3A_114 : vector<16xf32>
      %add3A_274 = arith.constant 16384 : i32
      %add3A_275 = vector.broadcast %add3A_274 : i32 to vector<16xi32>
      %add3A_276 = arith.addi %select_n3A_244, %add3A_275 : vector<16xi32>
      %gather3A_277 = tpu.vector_load_idx %arg7[%add3A_276] : memref<24576xf32, #tpu.memory_space<vmem>>[vector<16xi32>], vector<16xf32>,
      %sub3A_278 = arith.subf %gather3A_277, %gather3A_120 : vector<16xf32>
      %add3A_279 = arith.constant 16384 : i32
      %add3A_280 = vector.broadcast %add3A_279 : i32 to vector<16xi32>
      %add3A_281 = arith.addi %select_n3A_249, %add3A_280 : vector<16xi32>
      %gather3A_282 = tpu.vector_load_idx %arg7[%add3A_281] : memref<24576xf32, #tpu.memory_space<vmem>>[vector<16xi32>], vector<16xf32>,
      %sub3A_283 = arith.subf %gather3A_282, %gather3A_120 : vector<16xf32>
      %mul3A_284 = arith.constant 32 : i32
      %mul3A_285 = arith.muli %add3A_89, %mul3A_284 : i32
      %swap3A_286 = arith.index_cast %mul3A_285 : i32 to index
      %swap3A_287 = tpu.vector_load %arg11[%swap3A_286] {strides = array<i32>} : memref<24576xf32, #tpu.memory_space<vmem>>, vector<16xf32>,
      tpu.vector_store %arg11[%swap3A_286], %sub3A_261 {strides = array<i32>} : memref<24576xf32, #tpu.memory_space<vmem>>, vector<16xf32>,
      %mul3A_288 = arith.constant 32 : i32
      %mul3A_289 = arith.muli %add3A_89, %mul3A_288 : i32
      %add3A_290 = arith.constant 16 : i32
      %add3A_291 = arith.addi %mul3A_289, %add3A_290 : i32
      %swap3A_292 = arith.index_cast %add3A_291 : i32 to index
      %swap3A_293 = tpu.vector_load %arg11[%swap3A_292] {strides = array<i32>} : memref<24576xf32, #tpu.memory_space<vmem>>, vector<16xf32>,
      tpu.vector_store %arg11[%swap3A_292], %sub3A_263 {strides = array<i32>} : memref<24576xf32, #tpu.memory_space<vmem>>, vector<16xf32>,
      %mul3A_294 = arith.constant 32 : i32
      %mul3A_295 = arith.muli %add3A_89, %mul3A_294 : i32
      %add3A_296 = arith.constant 8192 : i32
      %add3A_297 = arith.addi %add3A_296, %mul3A_295 : i32
      %swap3A_298 = arith.index_cast %add3A_297 : i32 to index
      %swap3A_299 = tpu.vector_load %arg11[%swap3A_298] {strides = array<i32>} : memref<24576xf32, #tpu.memory_space<vmem>>, vector<16xf32>,
      tpu.vector_store %arg11[%swap3A_298], %sub3A_268 {strides = array<i32>} : memref<24576xf32, #tpu.memory_space<vmem>>, vector<16xf32>,
      %mul3A_300 = arith.constant 32 : i32
      %mul3A_301 = arith.muli %add3A_89, %mul3A_300 : i32
      %add3A_302 = arith.constant 8192 : i32
      %add3A_303 = arith.addi %add3A_302, %mul3A_301 : i32
      %add3A_304 = arith.constant 16 : i32
      %add3A_305 = arith.addi %add3A_303, %add3A_304 : i32
      %swap3A_306 = arith.index_cast %add3A_305 : i32 to index
      %swap3A_307 = tpu.vector_load %arg11[%swap3A_306] {strides = array<i32>} : memref<24576xf32, #tpu.memory_space<vmem>>, vector<16xf32>,
      tpu.vector_store %arg11[%swap3A_306], %sub3A_273 {strides = array<i32>} : memref<24576xf32, #tpu.memory_space<vmem>>, vector<16xf32>,
      %mul3A_308 = arith.constant 32 : i32
      %mul3A_309 = arith.muli %add3A_89, %mul3A_308 : i32
      %add3A_310 = arith.constant 16384 : i32
      %add3A_311 = arith.addi %add3A_310, %mul3A_309 : i32
      %swap3A_312 = arith.index_cast %add3A_311 : i32 to index
      %swap3A_313 = tpu.vector_load %arg11[%swap3A_312] {strides = array<i32>} : memref<24576xf32, #tpu.memory_space<vmem>>, vector<16xf32>,
      tpu.vector_store %arg11[%swap3A_312], %sub3A_278 {strides = array<i32>} : memref<24576xf32, #tpu.memory_space<vmem>>, vector<16xf32>,
      %mul3A_314 = arith.constant 32 : i32
      %mul3A_315 = arith.muli %add3A_89, %mul3A_314 : i32
      %add3A_316 = arith.constant 16384 : i32
      %add3A_317 = arith.addi %add3A_316, %mul3A_315 : i32
      %add3A_318 = arith.constant 16 : i32
      %add3A_319 = arith.addi %add3A_317, %add3A_318 : i32
      %swap3A_320 = arith.index_cast %add3A_319 : i32 to index
      %swap3A_321 = tpu.vector_load %arg11[%swap3A_320] {strides = array<i32>} : memref<24576xf32, #tpu.memory_space<vmem>>, vector<16xf32>,
      tpu.vector_store %arg11[%swap3A_320], %sub3A_283 {strides = array<i32>} : memref<24576xf32, #tpu.memory_space<vmem>>, vector<16xf32>,
    }
    %scan3A_52 = arith.constant 128 : i32
    %mul3A_53 = arith.constant 2048 : i32
    %mul3A_54 = arith.muli %select_n3A, %mul3A_53 : i32
    %add3A_55 = arith.addi %mul3A_54, %mul3A_32 : i32
    %mul3A_56 = arith.constant 32 : i32
    %mul3A_57 = arith.muli %add3A_55, %mul3A_56 : i32
    "tpu.region"() ({
      %run_scoped3A = tpu.sem_alloc : memref<!tpu.dma_semaphore, #tpu.memory_space<semaphore_mem>>
      %dma_start3A = tpu.memref_slice %arg4[%mul3A_57] : memref<262144xi32, #tpu.memory_space<hbm>> -> memref<8192xi32, #tpu.memory_space<hbm>>
      %dma_start3A_85 = tpu.memref_slice %arg4[%mul3A_57] : memref<262144xi32, #tpu.memory_space<hbm>> -> memref<8192xi32, #tpu.memory_space<hbm>>
      tpu.enqueue_dma source(%arg10 : memref<8192xi32, #tpu.memory_space<vmem>>) target(%dma_start3A_85 : memref<8192xi32, #tpu.memory_space<hbm>>) target_semaphore(%run_scoped3A : memref<!tpu.dma_semaphore, #tpu.memory_space<semaphore_mem>>)
      %dma_wait3A = tpu.memref_slice %arg4[%mul3A_57] : memref<262144xi32, #tpu.memory_space<hbm>> -> memref<8192xi32, #tpu.memory_space<hbm>>
      %dma_wait3A_86 = tpu.memref_slice %arg4[%mul3A_57] : memref<262144xi32, #tpu.memory_space<hbm>> -> memref<8192xi32, #tpu.memory_space<hbm>>
      tpu.wait_dma2 semaphore(%run_scoped3A : memref<!tpu.dma_semaphore, #tpu.memory_space<semaphore_mem>>) src(%arg10 : memref<8192xi32, #tpu.memory_space<vmem>>) dst(%dma_wait3A_86 : memref<8192xi32, #tpu.memory_space<hbm>>)
      tpu.yield
    }) : () -> ()
    %mul3A_58 = arith.constant 3 : i32
    %mul3A_59 = arith.muli %select_n3A, %mul3A_58 : i32
    %add3A_60 = arith.constant 0 : i32
    %add3A_61 = arith.addi %mul3A_59, %add3A_60 : i32
    %mul3A_62 = arith.constant 2048 : i32
    %mul3A_63 = arith.muli %add3A_61, %mul3A_62 : i32
    %add3A_64 = arith.addi %mul3A_63, %mul3A_32 : i32
    %mul3A_65 = arith.constant 32 : i32
    %mul3A_66 = arith.muli %add3A_64, %mul3A_65 : i32
    "tpu.region"() ({
      %run_scoped3A = tpu.sem_alloc : memref<!tpu.dma_semaphore, #tpu.memory_space<semaphore_mem>>
      %dma_start3A = arith.constant 0 : i32
      %dma_start3A_85 = tpu.memref_slice %arg11[%dma_start3A] : memref<24576xf32, #tpu.memory_space<vmem>> -> memref<8192xf32, #tpu.memory_space<vmem>>
      %dma_start3A_86 = tpu.memref_slice %arg5[%mul3A_66] : memref<786432xf32, #tpu.memory_space<hbm>> -> memref<8192xf32, #tpu.memory_space<hbm>>
      %dma_start3A_87 = tpu.memref_slice %arg5[%mul3A_66] : memref<786432xf32, #tpu.memory_space<hbm>> -> memref<8192xf32, #tpu.memory_space<hbm>>
      %dma_start3A_88 = arith.constant 0 : i32
      %dma_start3A_89 = tpu.memref_slice %arg11[%dma_start3A_88] : memref<24576xf32, #tpu.memory_space<vmem>> -> memref<8192xf32, #tpu.memory_space<vmem>>
      tpu.enqueue_dma source(%dma_start3A_89 : memref<8192xf32, #tpu.memory_space<vmem>>) target(%dma_start3A_87 : memref<8192xf32, #tpu.memory_space<hbm>>) target_semaphore(%run_scoped3A : memref<!tpu.dma_semaphore, #tpu.memory_space<semaphore_mem>>)
      %dma_wait3A = arith.constant 0 : i32
      %dma_wait3A_90 = tpu.memref_slice %arg11[%dma_wait3A] : memref<24576xf32, #tpu.memory_space<vmem>> -> memref<8192xf32, #tpu.memory_space<vmem>>
      %dma_wait3A_91 = tpu.memref_slice %arg5[%mul3A_66] : memref<786432xf32, #tpu.memory_space<hbm>> -> memref<8192xf32, #tpu.memory_space<hbm>>
      %dma_wait3A_92 = tpu.memref_slice %arg5[%mul3A_66] : memref<786432xf32, #tpu.memory_space<hbm>> -> memref<8192xf32, #tpu.memory_space<hbm>>
      %dma_wait3A_93 = arith.constant 0 : i32
      %dma_wait3A_94 = tpu.memref_slice %arg11[%dma_wait3A_93] : memref<24576xf32, #tpu.memory_space<vmem>> -> memref<8192xf32, #tpu.memory_space<vmem>>
      tpu.wait_dma2 semaphore(%run_scoped3A : memref<!tpu.dma_semaphore, #tpu.memory_space<semaphore_mem>>) src(%dma_wait3A_94 : memref<8192xf32, #tpu.memory_space<vmem>>) dst(%dma_wait3A_92 : memref<8192xf32, #tpu.memory_space<hbm>>)
      tpu.yield
    }) : () -> ()
    %mul3A_67 = arith.constant 3 : i32
    %mul3A_68 = arith.muli %select_n3A, %mul3A_67 : i32
    %add3A_69 = arith.constant 1 : i32
    %add3A_70 = arith.addi %mul3A_68, %add3A_69 : i32
    %mul3A_71 = arith.constant 2048 : i32
    %mul3A_72 = arith.muli %add3A_70, %mul3A_71 : i32
    %add3A_73 = arith.addi %mul3A_72, %mul3A_32 : i32
    %mul3A_74 = arith.constant 32 : i32
    %mul3A_75 = arith.muli %add3A_73, %mul3A_74 : i32
    "tpu.region"() ({
      %run_scoped3A = tpu.sem_alloc : memref<!tpu.dma_semaphore, #tpu.memory_space<semaphore_mem>>
      %dma_start3A = arith.constant 8192 : i32
      %dma_start3A_85 = tpu.memref_slice %arg11[%dma_start3A] : memref<24576xf32, #tpu.memory_space<vmem>> -> memref<8192xf32, #tpu.memory_space<vmem>>
      %dma_start3A_86 = tpu.memref_slice %arg5[%mul3A_75] : memref<786432xf32, #tpu.memory_space<hbm>> -> memref<8192xf32, #tpu.memory_space<hbm>>
      %dma_start3A_87 = tpu.memref_slice %arg5[%mul3A_75] : memref<786432xf32, #tpu.memory_space<hbm>> -> memref<8192xf32, #tpu.memory_space<hbm>>
      %dma_start3A_88 = arith.constant 8192 : i32
      %dma_start3A_89 = tpu.memref_slice %arg11[%dma_start3A_88] : memref<24576xf32, #tpu.memory_space<vmem>> -> memref<8192xf32, #tpu.memory_space<vmem>>
      tpu.enqueue_dma source(%dma_start3A_89 : memref<8192xf32, #tpu.memory_space<vmem>>) target(%dma_start3A_87 : memref<8192xf32, #tpu.memory_space<hbm>>) target_semaphore(%run_scoped3A : memref<!tpu.dma_semaphore, #tpu.memory_space<semaphore_mem>>)
      %dma_wait3A = arith.constant 8192 : i32
      %dma_wait3A_90 = tpu.memref_slice %arg11[%dma_wait3A] : memref<24576xf32, #tpu.memory_space<vmem>> -> memref<8192xf32, #tpu.memory_space<vmem>>
      %dma_wait3A_91 = tpu.memref_slice %arg5[%mul3A_75] : memref<786432xf32, #tpu.memory_space<hbm>> -> memref<8192xf32, #tpu.memory_space<hbm>>
      %dma_wait3A_92 = tpu.memref_slice %arg5[%mul3A_75] : memref<786432xf32, #tpu.memory_space<hbm>> -> memref<8192xf32, #tpu.memory_space<hbm>>
      %dma_wait3A_93 = arith.constant 8192 : i32
      %dma_wait3A_94 = tpu.memref_slice %arg11[%dma_wait3A_93] : memref<24576xf32, #tpu.memory_space<vmem>> -> memref<8192xf32, #tpu.memory_space<vmem>>
      tpu.wait_dma2 semaphore(%run_scoped3A : memref<!tpu.dma_semaphore, #tpu.memory_space<semaphore_mem>>) src(%dma_wait3A_94 : memref<8192xf32, #tpu.memory_space<vmem>>) dst(%dma_wait3A_92 : memref<8192xf32, #tpu.memory_space<hbm>>)
      tpu.yield
    }) : () -> ()
    %mul3A_76 = arith.constant 3 : i32
    %mul3A_77 = arith.muli %select_n3A, %mul3A_76 : i32
    %add3A_78 = arith.constant 2 : i32
    %add3A_79 = arith.addi %mul3A_77, %add3A_78 : i32
    %mul3A_80 = arith.constant 2048 : i32
    %mul3A_81 = arith.muli %add3A_79, %mul3A_80 : i32
    %add3A_82 = arith.addi %mul3A_81, %mul3A_32 : i32
    %mul3A_83 = arith.constant 32 : i32
    %mul3A_84 = arith.muli %add3A_82, %mul3A_83 : i32
    "tpu.region"() ({
      %run_scoped3A = tpu.sem_alloc : memref<!tpu.dma_semaphore, #tpu.memory_space<semaphore_mem>>
      %dma_start3A = arith.constant 16384 : i32
      %dma_start3A_85 = tpu.memref_slice %arg11[%dma_start3A] : memref<24576xf32, #tpu.memory_space<vmem>> -> memref<8192xf32, #tpu.memory_space<vmem>>
      %dma_start3A_86 = tpu.memref_slice %arg5[%mul3A_84] : memref<786432xf32, #tpu.memory_space<hbm>> -> memref<8192xf32, #tpu.memory_space<hbm>>
      %dma_start3A_87 = tpu.memref_slice %arg5[%mul3A_84] : memref<786432xf32, #tpu.memory_space<hbm>> -> memref<8192xf32, #tpu.memory_space<hbm>>
      %dma_start3A_88 = arith.constant 16384 : i32
      %dma_start3A_89 = tpu.memref_slice %arg11[%dma_start3A_88] : memref<24576xf32, #tpu.memory_space<vmem>> -> memref<8192xf32, #tpu.memory_space<vmem>>
      tpu.enqueue_dma source(%dma_start3A_89 : memref<8192xf32, #tpu.memory_space<vmem>>) target(%dma_start3A_87 : memref<8192xf32, #tpu.memory_space<hbm>>) target_semaphore(%run_scoped3A : memref<!tpu.dma_semaphore, #tpu.memory_space<semaphore_mem>>)
      %dma_wait3A = arith.constant 16384 : i32
      %dma_wait3A_90 = tpu.memref_slice %arg11[%dma_wait3A] : memref<24576xf32, #tpu.memory_space<vmem>> -> memref<8192xf32, #tpu.memory_space<vmem>>
      %dma_wait3A_91 = tpu.memref_slice %arg5[%mul3A_84] : memref<786432xf32, #tpu.memory_space<hbm>> -> memref<8192xf32, #tpu.memory_space<hbm>>
      %dma_wait3A_92 = tpu.memref_slice %arg5[%mul3A_84] : memref<786432xf32, #tpu.memory_space<hbm>> -> memref<8192xf32, #tpu.memory_space<hbm>>
      %dma_wait3A_93 = arith.constant 16384 : i32
      %dma_wait3A_94 = tpu.memref_slice %arg11[%dma_wait3A_93] : memref<24576xf32, #tpu.memory_space<vmem>> -> memref<8192xf32, #tpu.memory_space<vmem>>
      tpu.wait_dma2 semaphore(%run_scoped3A : memref<!tpu.dma_semaphore, #tpu.memory_space<semaphore_mem>>) src(%dma_wait3A_94 : memref<8192xf32, #tpu.memory_space<vmem>>) dst(%dma_wait3A_92 : memref<8192xf32, #tpu.memory_space<hbm>>)
      tpu.yield
    }) : () -> ()
    return
  }
}

#map = affine_map<(d0, d1) -> (0)>
module attributes {stable_mosaic.version = 14 : i64} {
  func.func @_group_body(%arg0: i32, %arg1: i32, %arg2: memref<8388608xf32, #tpu.memory_space<hbm>>, %arg3: memref<262144xi32, #tpu.memory_space<hbm>>, %arg4: memref<67108864xf32, #tpu.memory_space<hbm>>, %arg5: memref<65536xi32, #tpu.memory_space<vmem>>, %arg6: memref<8192xf32, #tpu.memory_space<vmem>>, %arg7: memref<32768xf32, #tpu.memory_space<vmem>>) attributes {dimension_semantics = [#tpu.dimension_semantics<core_parallel>, #tpu.dimension_semantics<subcore_parallel>], iteration_bounds = array<i64: 2, 16>, scalar_prefetch = 0 : i64, scratch_operands = 3 : i64, tpu.core_type = #tpu.core_type<sc_vector_subcore>, window_params = [{transform_indices = #map}, {transform_indices = #map}, {transform_indices = #map}]} {
    %mul3A = arith.constant 2 : i32
    %mul3A_0 = arith.muli %arg1, %mul3A : i32
    %add3A = arith.addi %mul3A_0, %arg0 : i32
    %scan3A = arith.constant 0 : i32
    %scan3A_1 = arith.constant 0 : i32
    %scan3A_2 = arith.constant 4 : i32
    %scan3A_3 = arith.addi %scan3A_1, %scan3A_2 : i32
    %scan3A_4 = arith.constant 1 : i32
    scf.for %scan3A_6 = %scan3A_1 to %scan3A_3 step %scan3A_4  : i32 {
      %mul3A_7 = arith.constant 2048 : i32
      %mul3A_8 = arith.muli %scan3A_6, %mul3A_7 : i32
      %mul3A_9 = arith.constant 32 : i32
      %mul3A_10 = arith.muli %mul3A_8, %mul3A_9 : i32
      "tpu.region"() ({
        %run_scoped3A = tpu.sem_alloc : memref<!tpu.dma_semaphore, #tpu.memory_space<semaphore_mem>>
        %dma_start3A = tpu.memref_slice %arg3[%mul3A_10] : memref<262144xi32, #tpu.memory_space<hbm>> -> memref<65536xi32, #tpu.memory_space<hbm>>
        %dma_start3A_17 = tpu.memref_slice %arg3[%mul3A_10] : memref<262144xi32, #tpu.memory_space<hbm>> -> memref<65536xi32, #tpu.memory_space<hbm>>
        tpu.enqueue_dma source(%dma_start3A_17 : memref<65536xi32, #tpu.memory_space<hbm>>) target(%arg5 : memref<65536xi32, #tpu.memory_space<vmem>>) target_semaphore(%run_scoped3A : memref<!tpu.dma_semaphore, #tpu.memory_space<semaphore_mem>>)
        %dma_wait3A = tpu.memref_slice %arg3[%mul3A_10] : memref<262144xi32, #tpu.memory_space<hbm>> -> memref<65536xi32, #tpu.memory_space<hbm>>
        %dma_wait3A_18 = tpu.memref_slice %arg3[%mul3A_10] : memref<262144xi32, #tpu.memory_space<hbm>> -> memref<65536xi32, #tpu.memory_space<hbm>>
        tpu.wait_dma2 semaphore(%run_scoped3A : memref<!tpu.dma_semaphore, #tpu.memory_space<semaphore_mem>>) src(%dma_wait3A_18 : memref<65536xi32, #tpu.memory_space<hbm>>) dst(%arg5 : memref<65536xi32, #tpu.memory_space<vmem>>)
        tpu.yield
      }) : () -> ()
      %scan3A_11 = arith.constant 0 : i32
      %scan3A_12 = arith.constant 0 : i32
      %scan3A_13 = arith.constant 8 : i32
      %scan3A_14 = arith.addi %scan3A_12, %scan3A_13 : i32
      %scan3A_15 = arith.constant 1 : i32
      scf.for %scan3A_17 = %scan3A_12 to %scan3A_14 step %scan3A_15  : i32 {
        %mul3A_18 = arith.constant 8 : i32
        %mul3A_19 = arith.muli %add3A, %mul3A_18 : i32
        %add3A_20 = arith.addi %mul3A_19, %scan3A_17 : i32
        %mul3A_21 = arith.constant 256 : i32
        %mul3A_22 = arith.muli %scan3A_6, %mul3A_21 : i32
        %add3A_23 = arith.addi %mul3A_22, %add3A_20 : i32
        %mul3A_24 = arith.constant 8192 : i32
        %mul3A_25 = arith.muli %add3A_23, %mul3A_24 : i32
        "tpu.region"() ({
          %run_scoped3A = tpu.sem_alloc : memref<!tpu.dma_semaphore, #tpu.memory_space<semaphore_mem>>
          %dma_start3A = tpu.memref_slice %arg2[%mul3A_25] : memref<8388608xf32, #tpu.memory_space<hbm>> -> memref<8192xf32, #tpu.memory_space<hbm>>
          %dma_start3A_32 = tpu.memref_slice %arg2[%mul3A_25] : memref<8388608xf32, #tpu.memory_space<hbm>> -> memref<8192xf32, #tpu.memory_space<hbm>>
          tpu.enqueue_dma source(%dma_start3A_32 : memref<8192xf32, #tpu.memory_space<hbm>>) target(%arg6 : memref<8192xf32, #tpu.memory_space<vmem>>) target_semaphore(%run_scoped3A : memref<!tpu.dma_semaphore, #tpu.memory_space<semaphore_mem>>)
          %dma_wait3A = tpu.memref_slice %arg2[%mul3A_25] : memref<8388608xf32, #tpu.memory_space<hbm>> -> memref<8192xf32, #tpu.memory_space<hbm>>
          %dma_wait3A_33 = tpu.memref_slice %arg2[%mul3A_25] : memref<8388608xf32, #tpu.memory_space<hbm>> -> memref<8192xf32, #tpu.memory_space<hbm>>
          tpu.wait_dma2 semaphore(%run_scoped3A : memref<!tpu.dma_semaphore, #tpu.memory_space<semaphore_mem>>) src(%dma_wait3A_33 : memref<8192xf32, #tpu.memory_space<hbm>>) dst(%arg6 : memref<8192xf32, #tpu.memory_space<vmem>>)
          tpu.yield
        }) : () -> ()
        %scan3A_26 = arith.constant 0 : i32
        %scan3A_27 = arith.constant 0 : i32
        %scan3A_28 = arith.constant 2 : i32
        %scan3A_29 = arith.addi %scan3A_27, %scan3A_28 : i32
        %scan3A_30 = arith.constant 1 : i32
        scf.for %scan3A_32 = %scan3A_27 to %scan3A_29 step %scan3A_30  : i32 {
          %parallel_loop3A = arith.constant 0 : i32
          %parallel_loop3A_33 = arith.constant 1024 : i32
          %parallel_loop3A_34 = arith.constant 1 : i32
          scf.for %parallel_loop3A_45 = %parallel_loop3A to %parallel_loop3A_33 step %parallel_loop3A_34  : i32 {
            %parallel_loop3A_46 = arith.constant 1024 : i32
            %parallel_loop3A_47 = arith.muli %scan3A_32, %parallel_loop3A_46 : i32
            %parallel_loop3A_48 = arith.addi %parallel_loop3A_47, %parallel_loop3A_45 : i32
            %parallel_loop3A_49 = arith.constant 32 : i32
            %parallel_loop3A_50 = arith.muli %parallel_loop3A_48, %parallel_loop3A_49 : i32
            %parallel_loop3A_51 = arith.index_cast %parallel_loop3A_50 : i32 to index
            %parallel_loop3A_52 = tpu.vector_load %arg5[%parallel_loop3A_51] {strides = array<i32>} : memref<65536xi32, #tpu.memory_space<vmem>>, vector<16xi32>,
            %parallel_loop3A_53 = arith.constant 16 : i32
            %parallel_loop3A_54 = arith.addi %parallel_loop3A_50, %parallel_loop3A_53 : i32
            %parallel_loop3A_55 = arith.index_cast %parallel_loop3A_54 : i32 to index
            %parallel_loop3A_56 = tpu.vector_load %arg5[%parallel_loop3A_55] {strides = array<i32>} : memref<65536xi32, #tpu.memory_space<vmem>>, vector<16xi32>,
            %parallel_loop3A_57 = tpu.vector_load_idx %arg6[%parallel_loop3A_52] : memref<8192xf32, #tpu.memory_space<vmem>>[vector<16xi32>], vector<16xf32>,
            %parallel_loop3A_58 = arith.constant 32 : i32
            %parallel_loop3A_59 = arith.muli %parallel_loop3A_45, %parallel_loop3A_58 : i32
            %parallel_loop3A_60 = arith.index_cast %parallel_loop3A_59 : i32 to index
            %parallel_loop3A_61 = tpu.vector_load %arg7[%parallel_loop3A_60] {strides = array<i32>} : memref<32768xf32, #tpu.memory_space<vmem>>, vector<16xf32>,
            tpu.vector_store %arg7[%parallel_loop3A_60], %parallel_loop3A_57 {strides = array<i32>} : memref<32768xf32, #tpu.memory_space<vmem>>, vector<16xf32>,
            %parallel_loop3A_62 = tpu.vector_load_idx %arg6[%parallel_loop3A_56] : memref<8192xf32, #tpu.memory_space<vmem>>[vector<16xi32>], vector<16xf32>,
            %parallel_loop3A_63 = arith.constant 32 : i32
            %parallel_loop3A_64 = arith.muli %parallel_loop3A_45, %parallel_loop3A_63 : i32
            %parallel_loop3A_65 = arith.constant 16 : i32
            %parallel_loop3A_66 = arith.addi %parallel_loop3A_64, %parallel_loop3A_65 : i32
            %parallel_loop3A_67 = arith.index_cast %parallel_loop3A_66 : i32 to index
            %parallel_loop3A_68 = tpu.vector_load %arg7[%parallel_loop3A_67] {strides = array<i32>} : memref<32768xf32, #tpu.memory_space<vmem>>, vector<16xf32>,
            tpu.vector_store %arg7[%parallel_loop3A_67], %parallel_loop3A_62 {strides = array<i32>} : memref<32768xf32, #tpu.memory_space<vmem>>, vector<16xf32>,
          } {sc.loop_unroll_factor = 16 : i64, sc.parallel_access}
          %mul3A_35 = arith.constant 256 : i32
          %mul3A_36 = arith.muli %scan3A_6, %mul3A_35 : i32
          %add3A_37 = arith.addi %mul3A_36, %add3A_20 : i32
          %mul3A_38 = arith.constant 2048 : i32
          %mul3A_39 = arith.muli %add3A_37, %mul3A_38 : i32
          %mul3A_40 = arith.constant 1024 : i32
          %mul3A_41 = arith.muli %scan3A_32, %mul3A_40 : i32
          %add3A_42 = arith.addi %mul3A_39, %mul3A_41 : i32
          %mul3A_43 = arith.constant 32 : i32
          %mul3A_44 = arith.muli %add3A_42, %mul3A_43 : i32
          "tpu.region"() ({
            %run_scoped3A = tpu.sem_alloc : memref<!tpu.dma_semaphore, #tpu.memory_space<semaphore_mem>>
            %dma_start3A = tpu.memref_slice %arg4[%mul3A_44] : memref<67108864xf32, #tpu.memory_space<hbm>> -> memref<32768xf32, #tpu.memory_space<hbm>>
            %dma_start3A_45 = tpu.memref_slice %arg4[%mul3A_44] : memref<67108864xf32, #tpu.memory_space<hbm>> -> memref<32768xf32, #tpu.memory_space<hbm>>
            tpu.enqueue_dma source(%arg7 : memref<32768xf32, #tpu.memory_space<vmem>>) target(%dma_start3A_45 : memref<32768xf32, #tpu.memory_space<hbm>>) target_semaphore(%run_scoped3A : memref<!tpu.dma_semaphore, #tpu.memory_space<semaphore_mem>>)
            %dma_wait3A = tpu.memref_slice %arg4[%mul3A_44] : memref<67108864xf32, #tpu.memory_space<hbm>> -> memref<32768xf32, #tpu.memory_space<hbm>>
            %dma_wait3A_46 = tpu.memref_slice %arg4[%mul3A_44] : memref<67108864xf32, #tpu.memory_space<hbm>> -> memref<32768xf32, #tpu.memory_space<hbm>>
            tpu.wait_dma2 semaphore(%run_scoped3A : memref<!tpu.dma_semaphore, #tpu.memory_space<semaphore_mem>>) src(%arg7 : memref<32768xf32, #tpu.memory_space<vmem>>) dst(%dma_wait3A_46 : memref<32768xf32, #tpu.memory_space<hbm>>)
            tpu.yield
          }) : () -> ()
        }
        %scan3A_31 = arith.constant 2 : i32
      }
      %scan3A_16 = arith.constant 8 : i32
    }
    %scan3A_5 = arith.constant 4 : i32
    return
  }
}

</mosaic_0001>

<sc_bundles>
// kernel: kernel.4.cloned.1.call-start
scs
__scs_entry_jumppad:
0x0: {  	(pc) =	sbr.rel $0x88, $3  }
0x1: {  	(tag) =	ssettag $0x0;
	lr =	simm.s32 $0x1  }
0x2: {  	[smem:$0x3F9E] =	sst lr;
	_ =	strace $0xD0000000  }
0x3: {  	_ = 	snop  }
0x4: {  	_ = 	snop  }
0x5: {  	_ = 	snop  }
0x6: {  	_ = 	snop  }
0x7: {  	_ = 	snop  }
__scs_overlays_trampoline_lowered:
0x8: {  	[smem:$0x3FAD] =	sst s0  }
0x9: {  	[smem:$0x3FAE] =	sst s1  }
0xa: {  	[smem:$0x3FAF] =	sst s2  }
0xb: {  	[smem:$0x3FB0] =	sst s3  }
0xc: {  	[smem:$0x3FB1] =	sst s4  }
0xd: {  	[smem:$0x3FB2] =	sst s5  }
0xe: {  	[smem:$0x3FB3] =	sst s6  }
0xf: {  	[smem:$0x3FB4] =	sst s7  }
0x10: {  	[smem:$0x3FB5] =	sst s8  }
0x11: {  	[smem:$0x3FB6] =	sst s9;
	s0 =	simm.s32 @!p0 $0x0  }
0x12: {  	s1 =	sld [smem:$0x3F9C];
	s0 =	simm.s32 @p0 $0x1  }
0x13: {  	[smem:$0x3FB7] =	sst s0;
	s0 =	simm.s32 @!p1 $0x0  }
0x14: {  	s2 =	sld [smem:$0x3F9B];
	s0 =	simm.s32 @p1 $0x1  }
0x15: {  	[smem:$0x3FB8] =	sst s0;
	s0 =	simm.s32 @!p2 $0x0  }
0x16: {  	s3 =	sld [smem:$0x3FDB];
	s0 =	simm.s32 @p2 $0x1  }
0x17: {  	s4 =	simm.s32 $0x1BF5;
	[smem:$0x3FBA] =	sst s0  }
0x18: {  	s0 =	sld [smem:$0x3F9D];
	_ =	swait.ge [sflag:s4], $0x0  }
0x19: {  	s7 =	sld [smem:$0x3F9E]  }
0x1a: {  	s8 =	sadd.s32 $0xFFFFE003, lr  }
0x1b: {  	s9 =	sadd.s32 $0xFFFFFEF7, lr;
	s5 =	simm.s32 $0xFFFFFFFF;
	p2 =	slt.u32 s8, $0xFFFFF086  }
0x1c: {  	p1 =	slt.u32 s9, $0xF7A;
	s5 =	simm.s32 @!p2 $0x0  }
0x1d: {  	s5 =	simm.s32 @p1 $0x1;
	p0 =	seq.s32 s7, s2  }
0x1e: {  	s7 =	smul.u32 @!p0 $0xF7A, s2;
	p2 =	seq.s32 @!p0 s5, $0x0  }
0x1f: {  	s9 =	smul.u32 $0xF7A, s1;
	s8 =	simm.s32 @!p0 $0x1BF5;
	p2 =	por !p2, p0  }
0x20: {  	[sflag:s8] =	ssyncset.s32 @!p0 $0xFFFFF086;
	s6 =	sadd.s32 @!p0 s3, s7;
	s7 =	simm.s32 @!p0 $0x108  }
0x21: {  	s3 =	sadd.s32 s3, s9;
	s6 =	sadd.s32 @!p0 $0x88, s6;
	s7 =	simm.s32 @p2 $0x1082  }
0x22: {  	[simem:s7], [sflag:s8] =	dma.local @!p0 [hbm:s6], $0xF7A  }
0x23: {  	s9 =	sor.u32 $0xD0000000, s2;
	s6 =	simm.s32 $0x108;
	_ =	swait.ge @!p0 [sflag:s8], $0x0  }
0x24: {  	s3 =	sadd.s32 $0x88, s3;
	s6 =	simm.s32 @!p1 $0x1082;
	[sflag:s4] =	ssyncset.s32 $0xFFFFF086  }
0x25: {  	[simem:s6], [sflag:s4] =	dma.local [hbm:s3], $0xF7A  }
0x26: {  	[smem:$0x3F9E] =	sst s1;
	(tag) =	ssettag s2;
	_ =	strace s9  }
0x27: {  	s1 =	sld [smem:$0x3FAE]  }
0x28: {  	s2 =	sld [smem:$0x3FAF]  }
0x29: {  	s4 =	sld [smem:$0x3FB1]  }
0x2a: {  	p0 =	seq.s32 s5, $0x0;
	s5 =	sld [smem:$0x3FB2]  }
0x2b: {  	s6 =	sld [smem:$0x3FB3]  }
0x2c: {  	s7 =	sld [smem:$0x3FB4]  }
0x2d: {  	s3 =	simm.s32 $0x108;
	s8 =	sld [smem:$0x3FB5]  }
0x2e: {  	s3 =	simm.s32 @!p0 $0x1082;
	s9 =	sld [smem:$0x3FB6]  }
0x2f: {  	lr =	sadd.s32 s0, s3;
	s0 =	sld [smem:$0x3FAD]  }
0x30: {  	s3 =	sld [smem:$0x3FB0]  }
0x31: {  	[smem:$0x3FB9] =	sst s10  }
0x32: {  	s10 =	sld [smem:$0x3FB7];
	_ =	sdelay $0x3  }
0x33: {  	p0 =	seq.s32 s10, $0x1;
	s10 =	sld [smem:$0x3FB9];
	_ =	sdelay $0x3  }
0x34: {  	[smem:$0x3FB9] =	sst s10  }
0x35: {  	s10 =	sld [smem:$0x3FB8];
	_ =	sdelay $0x3  }
0x36: {  	p1 =	seq.s32 s10, $0x1;
	s10 =	sld [smem:$0x3FB9];
	_ =	sdelay $0x3  }
0x37: {  	[smem:$0x3FB9] =	sst s10  }
0x38: {  	s10 =	sld [smem:$0x3FBA]  }
0x39: {  	_ = 	snop;
	(pc) =	sbr.ind lr, $3  }
0x3a: {  	_ = 	snop  }
0x3b: {  	_ = 	snop  }
0x3c: {  	p2 =	seq.s32 s10, $0x1;
	s10 =	sld [smem:$0x3FB9]  }
0x3d: {  	_ =	shalt  }
0x3e: {  	_ =	shalt  }
0x3f: {  	_ =	shalt  }
0x40: {  	_ =	shalt  }
0x41: {  	_ =	shalt  }
0x42: {  	_ =	shalt  }
0x43: {  	_ =	shalt  }
0x44: {  	_ =	shalt  }
0x45: {  	_ =	shalt  }
0x46: {  	_ =	shalt  }
0x47: {  	_ =	shalt  }
0x48: {  	_ =	shalt  }
0x49: {  	_ =	shalt  }
0x4a: {  	_ =	shalt  }
0x4b: {  	_ =	shalt  }
0x4c: {  	_ =	shalt  }
0x4d: {  	_ =	shalt  }
0x4e: {  	_ =	shalt  }
0x4f: {  	_ =	shalt  }
0x50: {  	_ =	shalt  }
0x51: {  	_ =	shalt  }
0x52: {  	_ =	shalt  }
0x53: {  	_ =	shalt  }
0x54: {  	_ =	shalt  }
0x55: {  	_ =	shalt  }
0x56: {  	_ =	shalt  }
0x57: {  	_ =	shalt  }
0x58: {  	_ =	shalt  }
0x59: {  	_ =	shalt  }
0x5a: {  	_ =	shalt  }
0x5b: {  	_ =	shalt  }
0x5c: {  	_ =	shalt  }
0x5d: {  	_ =	shalt  }
0x5e: {  	_ =	shalt  }
0x5f: {  	_ =	shalt  }
0x60: {  	_ =	shalt  }
0x61: {  	_ =	shalt  }
0x62: {  	_ =	shalt  }
0x63: {  	_ =	shalt  }
0x64: {  	_ =	shalt  }
0x65: {  	_ =	shalt  }
0x66: {  	_ =	shalt  }
0x67: {  	_ =	shalt  }
0x68: {  	_ =	shalt  }
0x69: {  	_ =	shalt  }
0x6a: {  	_ =	shalt  }
0x6b: {  	_ =	shalt  }
0x6c: {  	_ =	shalt  }
0x6d: {  	_ =	shalt  }
0x6e: {  	_ =	shalt  }
0x6f: {  	_ =	shalt  }
0x70: {  	_ =	shalt  }
0x71: {  	_ =	shalt  }
0x72: {  	_ =	shalt  }
0x73: {  	_ =	shalt  }
0x74: {  	_ =	shalt  }
0x75: {  	_ =	shalt  }
0x76: {  	_ =	shalt  }
0x77: {  	_ =	shalt  }
0x78: {  	_ =	shalt  }
0x79: {  	_ =	shalt  }
0x7a: {  	_ =	shalt  }
0x7b: {  	_ =	shalt  }
0x7c: {  	_ =	shalt  }
0x7d: {  	_ =	shalt  }
0x7e: {  	_ =	shalt  }
0x7f: {  	_ =	shalt  }
0x80: {  	_ =	shalt  }
0x81: {  	_ =	shalt  }
0x82: {  	_ =	shalt  }
0x83: {  	_ =	shalt  }
0x84: {  	_ =	shalt  }
0x85: {  	_ =	shalt  }
0x86: {  	_ =	shalt  }
0x87: {  	_ =	shalt  }
.Lfunc_end0:
.L_simem_size_0:
called_computation.2_lowered:
.L_overlay_start_0:
0x88: {  	s2 =	sld [smem:$0x3FD9]  }
0x89: {  	s3 =	sld [smem:$0x3FFE];
	_ =	sdelay $0x1  }
0x8a: {  	s1 =	srdreg.scid  }
0x8b: {  	s0 =	sand.u32 $0x1, s1  }
0x8c: {  	s15 =	sshll.u32 s0, $0xA;
	s2 =	sadd.s32 s3, s2  }
0x8d: {  	s2 =	sadd.s32 s2, s15  }
0x8e: {  	[smem:$0x3FC5] =	sst s2  }
0x8f: {  	_ = 	snop  }
0x90: {  	s2 =	sld [smem:$0x3FD0];
	_ =	sdelay $0x2  }
0x91: {  	s4 =	simm.s32 $0xB;
	s16 =	simm.s32 $0x10  }
0x92: {  	[smem:s16], [sflag:s4] =	dma.local [hbm:s2], $0x1  }
0x93: {  	_ =	swait.eq [sflag:s4], $0x1  }
0x94: {  	[sflag:s4] =	ssyncset.done $0x0  }
0x95: {  	s17 =	sld [smem:$0x10];
	[sflag:s4] =	ssyncadd.s32 $0xFFFFFFFF  }
0x96: {  	s18 =	sld [smem:$0x11];
	(tm) =	ssettm $0x1  }
0x97: {  	s19 =	sld [smem:$0x3FFB];
	_ =	sdelay $0x3  }
0x98: {  	_ =	strace s19  }
0x99: {  	s2 =	sld [smem:$0x3FFC];
	_ =	sdelay $0x3  }
0x9a: {  	_ =	strace s2  }
0x9b: {  	s2 =	sld [smem:$0x3FFD];
	_ =	sdelay $0x3  }
0x9c: {  	_ =	strace s2  }
0x9d: {  	_ =	strace $0x8FFFFFFF  }
0x9e: {  	s20 =	sld [smem:$0x3FDB];
	_ =	sdelay $0x1  }
0x9f: {  	s5 =	simm.s32 $_scs_section_size  }
0xa0: {  	s6 =	simm.s32 $_size__tile_overlayer_lowered;
	s7 =	simm.s32 $_tile_overlayer_lowered  }
0xa1: {  	s8 =	simm.s32 $0x1BFF;
	s21 =	sshll.u32 s7, $0x1;
	s5 =	sadd.s32 s5, s20  }
0xa2: {  	s22 =	simm.s32 $0x0;
	s6 =	sshll.u32 s6, $0x1;
	s7 =	sadd.s32 s21, s5  }
0xa3: {  	[timem:s22], [sflag:s8] =	dma.local [hbm:s7], s6  }
0xa4: {  	_ =	swait.ge [sflag:s8], s6  }
0xa5: {  	s6 =	ssub.s32 $0x0, s6;
	[sflag:s8] =	ssyncset.done $0x0  }
0xa6: {  	[sflag:s8] =	ssyncadd.s32 s6;
	_ =	sdelay $0x1  }
0xa7: {  	s23 =	simm.s32 $0x1B8B  }
0xa8: {  	_ =	swait.ge [sflag:s23], $0x1  }
0xa9: {  	[sflag:s23] =	ssyncset.done $0x0  }
0xaa: {  	[sflag:s23] =	ssyncadd.s32 $0xFFFFFFFF  }
0xab: {  	s6 =	sld [smem:$0x0]  }
0xac: {  	s7 =	sand.u32 $0xFFFFFFFE, s1  }
0xad: {  	p0 =	sne.s32 s1, s7  }
0xae: {  	s7 =	sshll.u32 @p0 s7, $0xE  }
0xaf: {  	s7 =	sadd.s32 @p0 $0x11B8D, s7;
	s8 =	sshll.u32 @p0 s6, $0x11  }
0xb0: {  	s7 =	sor.u32 @p0 s8, s7  }
0xb1: {  	[sflag:s7] =	ssyncadd.remote.s32 @p0 $0x1;
	_ =	sdelay $0x1  }
0xb2: {  	s7 =	simm.s32 @p0 $0x1B8D  }
0xb3: {  	_ =	swait.eq @p0 [sflag:s7], $0x1  }
0xb4: {  	[sflag:s7] =	ssyncadd.s32 @p0 $0xFFFFFFFF  }
0xb5: {  	s8 =	sshll.u32 @!p0 s1, $0xE  }
0xb6: {  	s8 =	sor.u32 @!p0 $0x4000, s8;
	s7 =	simm.s32 @!p0 $0x1B8D  }
0xb7: {  	s6 =	sshll.u32 @!p0 s6, $0x11;
	s8 =	sadd.s32 @!p0 $0x11B8D, s8;
	_ =	swait.eq @!p0 [sflag:s7], $0x1  }
0xb8: {  	s6 =	sor.u32 @!p0 s6, s8;
	[sflag:s7] =	ssyncadd.s32 @!p0 $0xFFFFFFFF  }
0xb9: {  	s25 =	simm.s32 $0x1B8E;
	s24 =	sld [smem:$0x3FFE];
	[sflag:s6] =	ssyncadd.remote.s32 @!p0 $0x1  }
0xba: {  	s26 =	simm.s32 $execute0_lowered;
	[smem:$0x3FD2] =	sst s25  }
0xbb: {  	s7 =	sshll.u32 s26, $0x1;
	_ =	strace $0x80000049;
	[dreg:$0x1] =	wrdreg $0xFFFFFFFF  }
0xbc: {  	s28 =	simm.s32 $_size_execute0_lowered;
	s5 =	sadd.s32 s5, s7;
	[dreg:$0x0] =	wrdreg $0x0  }
0xbd: {  	s7 =	sshll.u32 s28, $0x1;
	[dreg:$0x2] =	wrdreg s5  }
0xbe: {  	[dreg:$0x3] =	wrdreg s7  }
0xbf: {  	[dreg:$0x4] =	wrdreg $0xC0  }
0xc0: {  	_ =	task [dreg:s22], $0x5FFFF  }
0xc1: {  	[dreg:$0x1] =	wrdreg $0xFFFFFFFF  }
0xc2: {  	[dreg:$0x0] =	wrdreg $0x60  }
0xc3: {  	[dreg:$0x2] =	wrdreg s18  }
0xc4: {  	[dreg:$0x3] =	wrdreg s24  }
0xc5: {  	[dreg:$0x4] =	wrdreg s17  }
0xc6: {  	[dreg:$0x5] =	wrdreg $0xA  }
0xc7: {  	_ =	task.clear_ibuf [dreg:s22], $0x6FFFF;
	_ =	strace $0x90000049  }
0xc8: {  	s29 =	simm.s32 $0xA;
	_ =	strace $0x8000004B  }
0xc9: {  	_ =	swait.ge [sflag:s29], $0x1  }
0xca: {  	[sflag:s29] =	ssyncadd.s32 $0xFFFFFFFF  }
0xcb: {  	_ =	strace $0x9000004B  }
0xcc: {  	_ =	sfence  }
0xcd: {  	s30 =	sld [smem:$0x0];
	_ =	sdelay $0x2  }
0xce: {  	s31 =	sshll.u32 s1, $0xD;
	s1 =	sshrl.u32 s1, $0x2  }
0xcf: {  	s4 =	sand.u32 $0x4000, s31;
	s1 =	sadd.s32 s1, s30  }
0xd0: {  	s0 =	sor.u32 s4, s0;
	s1 =	sshll.u32 s1, $0x11  }
0xd1: {  	s0 =	sor.u32 s1, s0  }
0xd2: {  	s0 =	sadd.s32 $0x8F2B, s0  }
0xd3: {  	[sflag:s0] =	ssyncadd.remote.s32 $0x1  }
0xd4: {  	_ =	sfence.sel $0xFFFF  }
0xd5: {  	[dreg:$0x0] =	wrdreg $0xFFFFFFFF;
	(pc) =	sbr.abs _section_cstart, $3  }
0xd6: {  	[dreg:$0x1] =	wrdreg $0xFFFFFFFF  }
0xd7: {  	_ =	task.clear_ibuf [dreg:s22], $0x2FFFF;
	_ =	strace $0x9FFFFFFF  }
0xd8: {  	(tm) =	ssettm $0x7FFFFFFF  }
0xd9: {  	_ =	shalt  }
tec
execute0_lowered:
.L_overlay_start_1:
0x0: {  	(tag) =	ssettag $0x1  }
0x1: {  	s4 =	rddreg [dreg:$0x0]  }
0x2: {  	s0 =	stileid.u32;
	s6 =	rddreg [dreg:$0x1]  }
0x3: {  	s1 =	srdreg.scid;
	s8 =	rddreg [dreg:$0x2]  }
0x4: {  	s11 =	simm.s32 $0xC000;
	s12 =	simm.s32 $0xC300;
	s13 =	simm.s32 $0x6000  }
0x5: {  	s14 =	simm.s32 $0xC380;
	s15 =	simm.s32 $0xE380;
	s16 =	simm.s32 $0x10380  }
0x6: {  	s17 =	simm.s32 $0x12380;
	s18 =	simm.s32 $0x0;
	s2 =	sshll.u32 s0, $0x1  }
0x7: {  	s1 =	sand.u32 $0x1, s1;
	s3 =	sshrl.u32 s0, $0x2;
	s2 =	sand.u32 $0x6, s2  }
0x8: {  	s29 =	sshll.u32 s3, $0xB;
	s10 =	smul.u32 $0x1800, s3;
	s2 =	sor.u32 s1, s2  }
0x9: {  	v62 =	vlaneseq.u32;
	s3 =	smul.u32 $0xC00, s3;
	s1 =	ssub.s32 $0x2, s1;
	s5 =	sshll.u32 s2, $0x8  }
0xa: {  	v0 =	vmul.u32 $0x3, v62;
	s2 =	simm.s32 $0x0;
	s30 =	sshrl.u32 s1, $0x1;
	s7 =	sor.u32 s29, s5  }
0xb: {  	s3 =	sadd.s32 s4, s3;
	[smem:$0x7FF] =	sst s2;
	s9 =	smul.u32 $0x3, s7  }
0xc: {  	v1 =	vadd.s32 $0x1, v0;
	s5 =	sor.u32 s10, s5;
	s1 =	ssub.s32 s1, s30;
	_ =	strace $0x8000004A;
	[tilespmem:$0x1FFB0] =	vst v0  }
0xd: {  	v2 =	vadd.s32 $0x2, v0;
	s10 =	simm.s32 $0x1;
	s7 =	sshll.u32 s7, $0x2;
	[tilespmem:$0x1FFC0] =	vst v1;
	s9 =	sshrl.u32 s9, $0x3  }
0xe: {  	v3 =	vadd.s32 $0x41, v0;
	s31 =	sshll.u32 s5, $0x2;
	[tilespmem:$0x1FFD0] =	vst v2;
	s9 =	sadd.s32 s9, s6;
	s6 =	sadd.s32 s7, s6  }
0xf: {  	v4 =	vadd.s32 $0x42, v0;
	[tilespmem:$0x1FFE0] =	vst v3;
	s4 =	sadd.s32 $0x101A00, s9;
	s5 =	sadd.s32 $0x102600, s6;
	s6 =	sadd.s32 s8, s31  }
0x10: {  	v63 =	vimm.s32 $0x0;
	[tilespmem:$0x1FFF0] =	vst v4;
	s9 =	smax.u32 s1, $0x1;
	s7 =	sadd.s32 $0x2000, s6;
	s8 =	sadd.s32 $0x4000, s6  }
.LBB2_1:
0x11: {  	[tilespmem:s2], [sflag:$0x1] =	stream.linear.gather [hbm4b:s3+s2], $0x6000, $0x38;
	[tilespmem:$0x14380] =	vst v63  }
0x12: {  	_ =	swait.ge [sflag:s10], $0x6000  }
0x13: {  	[sflag:s10] =	ssyncset.done $0x0  }
0x14: {  	v7 =	vor.u32 s2, v0;
	s20 =	simm.s32 $0x30;
	s1 =	simm.s32 $0x60;
	[sflag:s10] =	ssyncadd.s32 $0xFFFFA000  }
0x15: {  	v8 =	vadd.s32 s20, v0;
	[tilespmem:s11], [sflag:$0x1] =	stream.linear.gather [hbm4b:s4+s2], $0x300, $0x38;
	[tilespmem:$0x14380] =	vst v63  }
0x16: {  	s19 =	simm.s32 $0x90;
	v9 =	vadd.s32 s1, v0;
	_ =	swait.ge [sflag:s10], $0x300  }
0x17: {  	s21 =	simm.s32 $0xC0;
	v10 =	vadd.s32 s19, v0;
	[sflag:s10] =	ssyncset.done $0x0  }
0x18: {  	s22 =	simm.s32 $0xF0;
	v11 =	vor.u32 s21, v0;
	[sflag:s10] =	ssyncadd.s32 $0xFFFFFD00  }
0x19: {  	s26 =	simm.s32 $0x150;
	v12 =	vadd.s32 s22, v0;
	v7 =	vld.idx.msk [tilespmem:v7+s2+$0x0], $0xffff  }
0x1a: {  	s23 =	simm.s32 $0x120;
	v14 =	vadd.s32 s26, v0;
	v8 =	vld.idx.msk [tilespmem:v8+s2+$0x0], $0xffff  }
0x1b: {  	v13 =	vadd.s32 s23, v0;
	v9 =	vld.idx.msk [tilespmem:v9+s2+$0x0], $0xffff  }
0x1c: {  	v15 =	vadd.s32 s1, v1;
	v10 =	vld.idx.msk [tilespmem:v10+s2+$0x0], $0xffff  }
0x1d: {  	v16 =	vadd.s32 s19, v1;
	v11 =	vld.idx.msk [tilespmem:v11+s2+$0x0], $0xffff  }
0x1e: {  	v17 =	vor.u32 s21, v3;
	v12 =	vld.idx.msk [tilespmem:v12+s2+$0x0], $0xffff  }
0x1f: {  	v18 =	vor.u32 s2, v1;
	v14 =	vld.idx.msk [tilespmem:v14+s2+$0x0], $0xffff;
	[tilespmem:s13+$0x0] =	vst v7  }
0x20: {  	v7 =	vld.idx.msk [tilespmem:v13+s2+$0x0], $0xffff;
	v13 =	vadd.s32 s22, v1;
	[tilespmem:s13+$0x20] =	vst v9  }
0x21: {  	v9 =	vadd.s32 s23, v1;
	[tilespmem:s13+$0x30] =	vst v10;
	v15 =	vld.idx.msk [tilespmem:v15+s2+$0x0], $0xffff  }
0x22: {  	v10 =	vadd.s32 s26, v1;
	[tilespmem:s13+$0x40] =	vst v11;
	v16 =	vld.idx.msk [tilespmem:v16+s2+$0x0], $0xffff  }
0x23: {  	v11 =	vadd.s32 s1, v2;
	[tilespmem:s13+$0x50] =	vst v12;
	v19 =	vld.idx.msk [tilespmem:v17+s2+$0x0], $0xffff  }
0x24: {  	v20 =	vadd.s32 s19, v2;
	[tilespmem:s13+$0x10] =	vst v8;
	v8 =	vld.idx.msk [tilespmem:v18+s2+$0x0], $0xffff  }
0x25: {  	v22 =	vor.u32 s21, v4;
	v21 =	vld.idx.msk [tilespmem:v13+s2+$0x0], $0xffff;
	[tilespmem:s13+$0x60] =	vst v7  }
0x26: {  	[tilespmem:s13+$0x70] =	vst v14;
	v17 =	vadd.s32 s20, v1;
	v12 =	vld.idx.msk [tilespmem:v9+s2+$0x0], $0xffff  }
0x27: {  	v10 =	vld.idx.msk [tilespmem:v10+s2+$0x0], $0xffff;
	[tilespmem:s13+$0x2020] =	vst v15;
	v15 =	vadd.s32 s23, v2  }
0x28: {  	[tilespmem:s13+$0x2030] =	vst v16;
	v16 =	vadd.s32 s26, v2;
	v7 =	vld.idx.msk [tilespmem:v11+s2+$0x0], $0xffff  }
0x29: {  	s24 =	simm.s32 $0x0;
	s25 =	simm.s32 $0x180;
	v13 =	vor.u32 s2, v2;
	[tilespmem:s13+$0x2040] =	vst v19;
	v11 =	vld.idx.msk [tilespmem:v20+s2+$0x0], $0xffff  }
0x2a: {  	s21 =	simm.s32 $0x6000;
	v14 =	vadd.s32 s22, v2;
	s22 =	simm.s32 $0x6000;
	s23 =	simm.s32 $0x0;
	v9 =	vld.idx.msk [tilespmem:v22+s2+$0x0], $0xffff;
	[tilespmem:s13+$0x2050] =	vst v21  }
.LBB2_2:
0x2b: {  	v18 =	vor.u32 s25, v0;
	s0 =	sadd.s32 $0x30, s25;
	s28 =	sadd.s32 $0x90, s25;
	s24 =	sadd.s32 $0x8, s24;
	v17 =	vld.idx.msk [tilespmem:v17+s23+$0x0], $0xffff;
	[tilespmem:s22+$0x2060] =	vst v12  }
0x2c: {  	s29 =	sadd.s32 $0x60, s25;
	v12 =	vadd.s32 s0, v0;
	v19 =	vadd.s32 s28, v1;
	p0 =	slt.u32 s24, $0x1F8;
	v15 =	vld.idx.msk [tilespmem:v15+s23+$0x0], $0xffff;
	[tilespmem:s22+$0x2070] =	vst v10  }
0x2d: {  	v10 =	vadd.s32 s29, v0;
	[tilespmem:s22+$0x2000] =	vst v8;
	v8 =	vld.idx.msk [tilespmem:v16+s23+$0x0], $0xffff  }
0x2e: {  	s30 =	sadd.s32 $0xC0, s25;
	v16 =	vadd.s32 s28, v0;
	v13 =	vld.idx.msk [tilespmem:v13+s23+$0x0], $0xffff;
	[tilespmem:s22+$0x4020] =	vst v7  }
0x2f: {  	s19 =	simm.s32 $0x0;
	s26 =	sadd.s32 $0xF0, s25;
	v7 =	vor.u32 s30, v0;
	[tilespmem:s22+$0x4030] =	vst v11;
	v11 =	vld.idx.msk [tilespmem:v14+s23+$0x0], $0xffff  }
0x30: {  	s31 =	sadd.s32 $0x120, s25;
	v14 =	vld.idx.msk [tilespmem:v18+s19+$0x0], $0xffff;
	v18 =	vadd.s32 s26, v0;
	[tilespmem:s22+$0x4040] =	vst v9  }
0x31: {  	s1 =	sadd.s32 $0x150, s25;
	v9 =	vld.idx.msk [tilespmem:v12+s19+$0x0], $0xffff;
	v12 =	vadd.s32 s31, v0;
	[tilespmem:s22+$0x2010] =	vst v17  }
0x32: {  	v17 =	vadd.s32 s1, v0;
	v10 =	vld.idx.msk [tilespmem:v10+s19+$0x0], $0xffff;
	[tilespmem:s22+$0x4060] =	vst v15  }
0x33: {  	v15 =	vld.idx.msk [tilespmem:v16+s19+$0x0], $0xffff;
	v16 =	vadd.s32 s20, v2;
	[tilespmem:s22+$0x4070] =	vst v8;
	s20 =	smov.u32 s0  }
0x34: {  	v8 =	vadd.s32 s29, v1;
	v7 =	vld.idx.msk [tilespmem:v7+s19+$0x0], $0xffff;
	[tilespmem:s22+$0x4000] =	vst v13  }
0x35: {  	s22 =	sadd.s32 $0x80, s22;
	v13 =	vld.idx.msk [tilespmem:v18+s19+$0x0], $0xffff;
	[tilespmem:s21+$0x4050] =	vst v11  }
0x36: {  	v11 =	vor.u32 s30, v3;
	[tilespmem:s22+$0x0] =	vst v14;
	v12 =	vld.idx.msk [tilespmem:v12+s19+$0x0], $0xffff  }
0x37: {  	[tilespmem:s22+$0x10] =	vst v9;
	v9 =	vadd.s32 s26, v1;
	v14 =	vld.idx.msk [tilespmem:v17+s19+$0x0], $0xffff  }
0x38: {  	[tilespmem:s22+$0x20] =	vst v10;
	v10 =	vadd.s32 s31, v1;
	v16 =	vld.idx.msk [tilespmem:v16+s23+$0x0], $0xffff;
	s23 =	smov.u32 s19  }
0x39: {  	v18 =	vld.idx.msk [tilespmem:v8+s23+$0x0], $0xffff;
	[tilespmem:s22+$0x30] =	vst v15;
	v8 =	vadd.s32 s1, v1  }
0x3a: {  	v15 =	vor.u32 s25, v1;
	v19 =	vld.idx.msk [tilespmem:v19+s23+$0x0], $0xffff;
	[tilespmem:s22+$0x40] =	vst v7  }
0x3b: {  	v7 =	vadd.s32 s29, v2;
	v20 =	vld.idx.msk [tilespmem:v11+s23+$0x0], $0xffff;
	[tilespmem:s22+$0x50] =	vst v13  }
0x3c: {  	v11 =	vadd.s32 s28, v2;
	v21 =	vld.idx.msk [tilespmem:v9+s23+$0x0], $0xffff;
	[tilespmem:s22+$0x60] =	vst v12  }
0x3d: {  	v9 =	vor.u32 s30, v4;
	v12 =	vld.idx.msk [tilespmem:v10+s23+$0x0], $0xffff;
	[tilespmem:s22+$0x70] =	vst v14  }
.Ltmp0:
0x3e: {  	v17 =	vadd.s32 s20, v1;
	v10 =	vld.idx.msk [tilespmem:v8+s23+$0x0], $0xffff;
	[tilespmem:s21+$0x4010] =	vst v16;
	s21 =	smov.u32 s22;
	(pc) =	sbr.rel @p0 .LBB2_2-.Ltmp0, $4  }
0x3f: {  	v8 =	vld.idx.msk [tilespmem:v15+s23+$0x0], $0xffff;
	[tilespmem:s22+$0x2020] =	vst v18;
	v15 =	vadd.s32 s31, v2  }
0x40: {  	v16 =	vadd.s32 s1, v2;
	v7 =	vld.idx.msk [tilespmem:v7+s23+$0x0], $0xffff;
	[tilespmem:s22+$0x2030] =	vst v19  }
0x41: {  	v13 =	vor.u32 s25, v2;
	v11 =	vld.idx.msk [tilespmem:v11+s23+$0x0], $0xffff;
	[tilespmem:s22+$0x2040] =	vst v20  }
0x42: {  	s25 =	sadd.s32 $0x180, s25;
	v14 =	vadd.s32 s26, v2;
	v9 =	vld.idx.msk [tilespmem:v9+s23+$0x0], $0xffff;
	[tilespmem:s22+$0x2050] =	vst v21  }
0x43: {  	_ =	sdelay $0x3  }
0x44: {  	v17 =	vld.idx.msk [tilespmem:v17+s23+$0x0], $0xffff;
	[tilespmem:s22+$0x2060] =	vst v12  }
0x45: {  	[tilespmem:s22+$0x2070] =	vst v10;
	v57 =	vadd.s32 s20, v2  }
0x46: {  	v60 =	vld.idx.msk [tilespmem:v14+s23+$0x0], $0xffff;
	[tilespmem:s22+$0x2000] =	vst v8  }
0x47: {  	v12 =	vld.idx.msk [tilespmem:v15+s23+$0x0], $0xffff;
	[tilespmem:s22+$0x4020] =	vst v7  }
0x48: {  	v58 =	vld.idx.msk [tilespmem:v16+s23+$0x0], $0xffff;
	[tilespmem:s22+$0x4030] =	vst v11  }
0x49: {  	v59 =	vld.idx.msk [tilespmem:v13+s23+$0x0], $0xffff;
	[tilespmem:s22+$0x2010] =	vst v17  }
0x4a: {  	[tilespmem:s22+$0x4040] =	vst v9;
	v61 =	vld.idx.msk [tilespmem:v57+s23+$0x0], $0xffff  }
0x4b: {  	[tilespmem:s21+$0x4050] =	vst v60  }
0x4c: {  	[tilespmem:s22+$0x4060] =	vst v12  }
0x4d: {  	[tilespmem:s22+$0x4070] =	vst v58  }
0x4e: {  	[tilespmem:s22+$0x4000] =	vst v59  }
0x4f: {  	[tilespmem:s21+$0x4010] =	vst v61  }
.LBB2_4:
0x50: {  	s0 =	smul.u32 $0x6, s19;
	_ =	sdelay $0x1  }
0x51: {  	s20 =	sshllo.u32 s19, $0x1;
	v7 =	vmov s0  }
0x52: {  	s21 =	smul.u32 $0x3, s20;
	v7 =	vbroadcast v7, $0x0  }
0x53: {  	s1 =	sadd.s32 $0x2, s0;
	s0 =	sor.u32 $0x1, s0  }
0x54: {  	v8 =	vmov s1;
	v9 =	vmov s0;
	s22 =	sadd.s32 $0x1, s21  }
0x55: {  	v13 =	vmov s21;
	v8 =	vbroadcast v8, $0x0;
	v10 =	vmov s22  }
0x56: {  	v14 =	vbroadcast v10, $0x0  }
0x57: {  	s23 =	sadd.s32 $0x2, s21  }
0x58: {  	v12 =	vld.idx.msk [tilespmem:v7+s11+$0x0], $0xffff;
	v7 =	vmov s23  }
0x59: {  	v11 =	vld.idx.msk [tilespmem:v9+s11+$0x0], $0xffff  }
0x5a: {  	v9 =	vld.idx.msk [tilespmem:v13+s11+$0x0], $0xffff  }
0x5b: {  	v10 =	vld.idx.msk [tilespmem:v8+s11+$0x0], $0xffff  }
0x5c: {  	v19 =	vimm.s32 $0x0;
	v8 =	vld.idx.msk [tilespmem:v14+s11+$0x0], $0xffff  }
0x5d: {  	v7 =	vld.idx.msk [tilespmem:v7+s11+$0x0], $0xffff;
	[tilespmem:$0xC300] =	vst v19  }
0x5e: {  	s24 =	simm.s32 $0x6000;
	[tilespmem:$0xC330] =	vst v19  }
0x5f: {  	v13 =	vld [tilespmem:s24+$0x4010]  }
0x60: {  	v14 =	vld [tilespmem:s24+$0x4020]  }
0x61: {  	v15 =	vld [tilespmem:s24+$0x4030]  }
0x62: {  	v16 =	vld [tilespmem:s24+$0x4040]  }
0x63: {  	v17 =	vld [tilespmem:s24+$0x4050]  }
0x64: {  	v18 =	vld [tilespmem:s24+$0x4060]  }
0x65: {  	v21 =	vld [tilespmem:s24+$0x4070];
	v20 =	vsub.f32 v13, v10;
	v13 =	vsub.f32 v13, v7  }
0x66: {  	v22 =	vld [tilespmem:s24+$0x4000];
	v23 =	vsub.f32 v14, v10;
	v14 =	vsub.f32 v14, v7  }
0x67: {  	v24 =	vld [tilespmem:s24+$0x10];
	v25 =	vsub.f32 v15, v10;
	v15 =	vsub.f32 v15, v7  }
0x68: {  	v26 =	vld [tilespmem:s24+$0x2010];
	v27 =	vsub.f32 v16, v10;
	v16 =	vsub.f32 v16, v7  }
0x69: {  	v28 =	vld [tilespmem:s24+$0x20];
	v29 =	vsub.f32 v17, v10;
	v17 =	vsub.f32 v17, v7  }
0x6a: {  	v30 =	vld [tilespmem:s24+$0x2020];
	v31 =	vsub.f32 v18, v10;
	v18 =	vsub.f32 v18, v7  }
0x6b: {  	v32 =	vld [tilespmem:s24+$0x30];
	v33 =	vsub.f32 v21, v10;
	v21 =	vsub.f32 v21, v7  }
0x6c: {  	v35 =	vld [tilespmem:s24+$0x2030];
	v34 =	vsub.f32 v22, v10;
	v36 =	vsub.f32 v24, v12  }
0x6d: {  	v38 =	vld [tilespmem:s24+$0x40];
	v37 =	vsub.f32 v26, v11;
	v24 =	vsub.f32 v24, v9  }
0x6e: {  	v39 =	vld [tilespmem:s24+$0x2040];
	v26 =	vsub.f32 v26, v8;
	v40 =	vsub.f32 v28, v12  }
0x6f: {  	v41 =	vsub.f32 v30, v11;
	v28 =	vsub.f32 v28, v9  }
0x70: {  	v42 =	vld [tilespmem:s24+$0x50];
	v30 =	vsub.f32 v30, v8;
	v43 =	vsub.f32 v32, v12  }
0x71: {  	v45 =	vld [tilespmem:s24+$0x2050];
	v44 =	vsub.f32 v35, v11;
	v32 =	vsub.f32 v32, v9  }
0x72: {  	v35 =	vsub.f32 v35, v8;
	v46 =	vsub.f32 v38, v12  }
0x73: {  	v47 =	vsub.f32 v39, v11;
	v38 =	vsub.f32 v38, v9;
	v20 =	vmul.f32 v20, v20  }
0x74: {  	v48 =	vld [tilespmem:s24+$0x60];
	v39 =	vsub.f32 v39, v8;
	v13 =	vmul.f32 v13, v13;
	v23 =	vmul.f32 v23, v23  }
0x75: {  	v50 =	vld [tilespmem:s24+$0x2060];
	v49 =	vsub.f32 v42, v12;
	v14 =	vmul.f32 v14, v14;
	v25 =	vmul.f32 v25, v25  }
0x76: {  	v51 =	vsub.f32 v45, v11;
	v15 =	vmul.f32 v15, v15;
	v27 =	vmul.f32 v27, v27  }
0x77: {  	v42 =	vsub.f32 v42, v9;
	v16 =	vmul.f32 v16, v16;
	v36 =	vmul.f32 v36, v36  }
0x78: {  	v52 =	vld [tilespmem:s24+$0x70];
	v45 =	vsub.f32 v45, v8;
	v37 =	vmul.f32 v37, v37;
	v24 =	vmul.f32 v24, v24  }
0x79: {  	v54 =	vld [tilespmem:s24+$0x2070];
	v53 =	vsub.f32 v48, v12;
	v26 =	vmul.f32 v26, v26;
	v40 =	vmul.f32 v40, v40  }
0x7a: {  	v55 =	vsub.f32 v50, v11;
	v41 =	vmul.f32 v41, v41;
	v28 =	vmul.f32 v28, v28  }
0x7b: {  	v48 =	vsub.f32 v48, v9;
	v30 =	vmul.f32 v30, v30;
	v43 =	vmul.f32 v43, v43  }
0x7c: {  	v56 =	vld [tilespmem:s24+$0x0];
	v50 =	vsub.f32 v50, v8;
	v44 =	vmul.f32 v44, v44;
	v32 =	vmul.f32 v32, v32  }
0x7d: {  	v57 =	vld [tilespmem:s24+$0x2000];
	v58 =	vsub.f32 v52, v12;
	v35 =	vmul.f32 v35, v35;
	v46 =	vmul.f32 v46, v46  }
0x7e: {  	v59 =	vsub.f32 v54, v11;
	v47 =	vmul.f32 v47, v47;
	v38 =	vmul.f32 v38, v38  }
0x7f: {  	v52 =	vsub.f32 v52, v9;
	v39 =	vmul.f32 v39, v39;
	v49 =	vmul.f32 v49, v49  }
0x80: {  	v54 =	vsub.f32 v54, v8;
	v51 =	vmul.f32 v51, v51;
	v42 =	vmul.f32 v42, v42  }
0x81: {  	v60 =	vsub.f32 v56, v12;
	v45 =	vmul.f32 v45, v45;
	v53 =	vmul.f32 v53, v53  }
0x82: {  	v61 =	vsub.f32 v57, v11;
	v55 =	vmul.f32 v55, v55;
	v48 =	vmul.f32 v48, v48  }
0x83: {  	v56 =	vsub.f32 v56, v9;
	v50 =	vmul.f32 v50, v50;
	v3 =	vmul.f32 v52, v52  }
0x84: {  	v57 =	vsub.f32 v57, v8;
	v52 =	vmul.f32 v54, v54;
	v54 =	vmul.f32 v60, v60  }
0x85: {  	v22 =	vsub.f32 v22, v7;
	v60 =	vmul.f32 v61, v61;
	v0 =	vmul.f32 v56, v56  }
0x86: {  	v2 =	vmul.f32 v57, v57;
	v29 =	vmul.f32 v29, v29;
	v36 =	vadd.f32 v37, v36  }
0x87: {  	v17 =	vmul.f32 v17, v17;
	v24 =	vadd.f32 v26, v24;
	v26 =	vadd.f32 v41, v40  }
0x88: {  	v37 =	vmul.f32 v58, v58;
	v28 =	vadd.f32 v30, v28;
	v30 =	vadd.f32 v44, v43  }
0x89: {  	v58 =	vmul.f32 v59, v59;
	v32 =	vadd.f32 v35, v32;
	v59 =	vadd.f32 v47, v46  }
0x8a: {  	v18 =	vmul.f32 v18, v18;
	v38 =	vadd.f32 v39, v38;
	v61 =	vadd.f32 v51, v49  }
0x8b: {  	v21 =	vmul.f32 v21, v21;
	v42 =	vadd.f32 v45, v42;
	v1 =	vadd.f32 v55, v53  }
0x8c: {  	v22 =	vmul.f32 v22, v22;
	v48 =	vadd.f32 v50, v48;
	v43 =	vadd.f32 v60, v54  }
0x8d: {  	v56 =	vimm.s32 $0x0;
	v40 =	vadd.f32 v52, v3;
	v3 =	vadd.f32 v2, v0  }
0x8e: {  	v0 =	vimm.s32 $0x0;
	v39 =	vimm.s32 $0x0;
	v41 =	vimm.s32 $0x0  }
0x8f: {  	v45 =	vimm.s32 $0x0;
	v37 =	vadd.f32 v58, v37;
	v20 =	vadd.f32 v20, v36  }
0x90: {  	v46 =	vimm.s32 $0x0;
	v13 =	vadd.f32 v13, v24;
	v23 =	vadd.f32 v23, v26  }
0x91: {  	v47 =	vimm.s32 $0x0;
	v14 =	vadd.f32 v14, v28;
	v25 =	vadd.f32 v25, v30  }
0x92: {  	v54 =	vimm.s32 $0x0;
	v26 =	vadd.f32 v15, v32;
	v27 =	vadd.f32 v27, v59  }
0x93: {  	v24 =	vmul.f32 v31, v31;
	v16 =	vadd.f32 v16, v38;
	v28 =	vadd.f32 v29, v61  }
0x94: {  	v15 =	vmul.f32 v33, v33;
	v17 =	vadd.f32 v17, v42;
	v18 =	vadd.f32 v18, v48  }
0x95: {  	v29 =	vmul.f32 v34, v34;
	v21 =	vadd.f32 v21, v40;
	v22 =	vadd.f32 v22, v3  }
0x96: {  	v40 =	vimm.s32 $0x0;
	v42 =	vimm.s32 $0x0;
	v48 =	vimm.s32 $0x0  }
0x97: {  	s21 =	simm.s32 $0x70;
	v58 =	vimm.s32 $0x0;
	v61 =	vimm.s32 $0x0;
	v24 =	vadd.f32 v24, v1  }
0x98: {  	v30 =	vadd.f32 v15, v37;
	v29 =	vadd.f32 v29, v43;
	v15 =	vor.u32 s21, v62  }
0x99: {  	vm8 =	vlt.f32 v20, $9.999999770e-03;
	vm5 =	vlt.f32 v13, $9.999999770e-03;
	vm9 =	vlt.f32 v23, $9.999999770e-03  }
0x9a: {  	vm4 =	vlt.f32 v14, $9.999999770e-03;
	vm10 =	vlt.f32 v25, $9.999999770e-03;
	vm3 =	vlt.f32 v26, $9.999999770e-03  }
0x9b: {  	vm7 =	vlt.f32 v27, $9.999999770e-03;
	vm15 =	vlt.f32 v16, $9.999999770e-03;
	vm6 =	vlt.f32 v28, $9.999999770e-03  }
0x9c: {  	vm12 =	vlt.f32 v17, $9.999999770e-03;
	vm13 =	vlt.f32 v22, $9.999999770e-03;
	vm2 =	vlt.f32 v18, $9.999999770e-03  }
0x9d: {  	vm1 =	vlt.f32 v21, $9.999999770e-03;
	v16 =	vmpcnt.ones.xlane vm7;
	v17 =	vmpcnt.ones.xlane vm6  }
0x9e: {  	v43 =	vimm.s32 $0x0;
	v20 =	vmpcnt.ones.xlane vm9;
	v22 =	vmpcnt.ones.xlane vm10  }
0x9f: {  	v18 =	vmpcnt.ones.xlane vm8;
	v25 =	vmpcnt.ones.xlane vm5;
	v26 =	vsel vm6, $0x1, v63  }
0xa0: {  	v55 =	vsel vm12, $0x1, v63;
	v59 =	vsel vm2, $0x1, v63;
	v2 =	vsel vm1, $0x1, v63  }
0xa1: {  	vm0 =	vlt.f32 v24, $9.999999770e-03;
	vm11 =	vlt.f32 v30, $9.999999770e-03;
	v24 =	vmpcnt.ones.xlane vm13  }
0xa2: {  	vm14 =	vlt.f32 v29, $9.999999770e-03;
	v13 =	vmpcnt.ones.xlane vm0;
	v14 =	vmpcnt.ones.xlane vm11  }
0xa3: {  	v23 =	vmpcnt.ones.xlane vm14;
	v0 =	vsel vm14, $0xFFFFFFFF, v0;
	v57 =	vsel vm0, $0x1, v63  }
0xa4: {  	v28 =	vadd.s32 v19, v24;
	[tilespmem:$0x1FED0] =	vst v0;
	v24 =	vmpcnt.ones.xlane vm15;
	v0 =	vsel vm13, $0xFFFFFFFF, v39  }
0xa5: {  	v21 =	vadd.s32 v19, v23;
	v23 =	vmpcnt.ones.xlane vm4;
	v30 =	vadd.s32 v28, v25  }
0xa6: {  	[tilespmem:$0x1FEE0] =	vst v0;
	v0 =	vsel vm8, $0xFFFFFFFF, v40;
	v29 =	vadd.s32 v21, v18;
	v18 =	vmpcnt.ones.xlane vm3  }
0xa7: {  	[tilespmem:$0x1FEF0] =	vst v0;
	v0 =	vsel vm5, $0xFFFFFFFF, v41;
	v20 =	vadd.s32 v29, v20;
	v31 =	vadd.s32 v30, v23  }
0xa8: {  	v23 =	vsel vm14, $0x1, v63;
	[tilespmem:$0x1FF00] =	vst v0;
	v0 =	vsel vm9, $0xFFFFFFFF, v42;
	vm14 =	vmmov vm11  }
0xa9: {  	v42 =	vsel vm11, $0x1, v63;
	v32 =	vadd.s32 v20, v22;
	v22 =	vsel vm13, $0x1, v63  }
0xaa: {  	(xrf0) =	vadd.scan.msk.s32 $0xffff, v23;
	v35 =	vadd.s32 v31, v18;
	v18 =	vmpcnt.ones.xlane vm12;
	v23 =	vsel vm8, $0x1, v63  }
0xab: {  	[tilespmem:$0x1FF10] =	vst v0;
	v0 =	vsel vm4, $0xFFFFFFFF, v43;
	(xrf0) =	vadd.scan.msk.s32 $0xffff, v22;
	v38 =	vadd.s32 v32, v16  }
0xac: {  	s26 =	simm.s32 $0x10;
	v39 =	vadd.s32 v35, v24;
	v16 =	vsel vm5, $0x1, v63;
	v22 =	vmpcnt.ones.xlane vm2;
	[tilespmem:$0x1FF20] =	vst v0  }
0xad: {  	v0 =	vsel vm10, $0xFFFFFFFF, v45;
	v24 =	vor.u32 s26, v62;
	(xrf0) =	vadd.scan.msk.s32 $0xffff, v23;
	v40 =	vadd.s32 v38, v17  }
0xae: {  	v17 =	vsel vm9, $0x1, v63;
	v44 =	vadd.s32 v39, v18;
	v18 =	vsel vm4, $0x1, v63;
	[tilespmem:$0x1FF30] =	vst v0  }
0xaf: {  	v0 =	vsel vm3, $0xFFFFFFFF, v46;
	v23 =	vsel vm15, $0x1, v63;
	(xrf0) =	vadd.scan.msk.s32 $0xffff, v16;
	v16 =	vmpcnt.ones.xlane vm1  }
0xb0: {  	s25 =	simm.s32 $0x0;
	v27 =	vadd.s32 v40, v13;
	v25 =	vadd.s32 v44, v22;
	[tilespmem:$0x1FF40] =	vst v0;
	v0 =	vsel vm7, $0xFFFFFFFF, v47  }
0xb1: {  	v22 =	vor.u32 s25, v62;
	(xrf0) =	vadd.scan.msk.s32 $0xffff, v17;
	v17 =	vsel vm10, $0x1, v63;
	v51 =	vadd.s32 v27, v14  }
0xb2: {  	[tilespmem:$0x1FF50] =	vst v0;
	v0 =	vsel vm6, $0xFFFFFFFF, v48;
	(xrf0) =	vadd.scan.msk.s32 $0xffff, v18;
	v50 =	vadd.s32 v25, v16  }
0xb3: {  	v16 =	vsel vm3, $0x1, v63;
	[tilespmem:$0x1FF60] =	vst v0;
	v0 =	vsel vm12, $0xFFFFFFFF, v54;
	v18, _, _ =	vpop (xrf0);
	(xrf0) =	vadd.scan.msk.s32 $0xffff, v17  }
0xb4: {  	s22 =	simm.s32 $0x30;
	v17 =	vsel vm7, $0x1, v63;
	[tilespmem:$0x1FF70] =	vst v0;
	v0 =	vsel vm0, $0xFFFFFFFF, v56;
	v49, _, _ =	vpop (xrf0);
	(xrf0) =	vadd.scan.msk.s32 $0xffff, v16  }
0xb5: {  	s30 =	simm.s32 $0x50;
	[tilespmem:$0x1FF80] =	vst v0;
	v0 =	vsel vm2, $0xFFFFFFFF, v58;
	v16 =	vor.u32 s22, v62;
	v60, _, _ =	vpop (xrf0);
	(xrf0) =	vadd.scan.msk.s32 $0xffff, v17  }
0xb6: {  	s28 =	simm.s32 $0x20;
	[tilespmem:$0x1FF90] =	vst v0;
	v0 =	vsel vm1, $0xFFFFFFFF, v61;
	v17 =	vor.u32 s30, v62;
	v3, _, _ =	vpop (xrf0);
	(xrf0) =	vadd.scan.msk.s32 $0xffff, v23  }
0xb7: {  	s29 =	simm.s32 $0x40;
	v23 =	vor.u32 s28, v62;
	v21 =	vadd.s32 v60, v21;
	v52, _, _ =	vpop (xrf0);
	(xrf0) =	vadd.scan.msk.s32 $0xffff, v26;
	v26 =	vadd.s32 v18, v19  }
0xb8: {  	s31 =	simm.s32 $0x60;
	v18 =	vor.u32 s29, v62;
	v28 =	vadd.s32 v28, v3;
	v34 =	vadd.s32 $0xFFFFFFFF, v21  }
0xb9: {  	v53, _, _ =	vpop (xrf0);
	(xrf0) =	vadd.scan.msk.s32 $0xffff, v55;
	v33 =	vadd.s32 $0xFFFFFFFF, v26;
	v26 =	vadd.s32 v19, v49;
	v19 =	vor.u32 s31, v62  }
0xba: {  	v21 =	vadd.s32 $0xFFFFFFFF, v28;
	v29 =	vadd.s32 v52, v29;
	vm6 =	vlt.s32 v34, $0x30;
	v54, _, _ =	vpop (xrf0);
	(xrf0) =	vadd.scan.msk.s32 $0xffff, v57  }
0xbb: {  	v55 =	vadd.s32 $0xFFFFFFFF, v26;
	v36 =	vadd.s32 $0xFFFFFFFF, v29;
	v56, _, _ =	vpop (xrf0);
	v20 =	vadd.s32 v54, v20  }
0xbc: {  	v29 =	vadd.s32 v30, v53;
	vm4 =	vlt.s32 v33, $0x30;
	vm9 =	vlt.s32 v21, $0x30;
	v57, _, _ =	vpop (xrf0)  }
0xbd: {  	(xrf0) =	vadd.scan.msk.s32 $0xffff, v59;
	v47 =	vadd.s32 $0xFFFFFFFF, v29;
	vm0 =	vlt.s32 v55, $0x30;
	vm8 =	vlt.s32 v36, $0x30;
	v58, _, _ =	vpop (xrf0)  }
0xbe: {  	v37 =	vadd.s32 $0xFFFFFFFF, v20;
	v30 =	vadd.s32 v31, v56;
	(xrf0) =	vadd.scan.msk.s32 $0xffff, v42;
	vm2 =	vlt.s32 v47, $0x30;
	v20, _, _ =	vpop (xrf0)  }
0xbf: {  	v59 =	vadd.s32 $0xFFFFFFFF, v30;
	v32 =	vadd.s32 v57, v32;
	vm10 =	vlt.s32 v37, $0x30;
	v60, _, _ =	vpop (xrf0)  }
0xc0: {  	v31 =	vadd.s32 v35, v58;
	v42 =	vadd.s32 $0xFFFFFFFF, v32;
	v20 =	vadd.s32 v20, v38;
	v61, _, _ =	vpop (xrf0)  }
0xc1: {  	vm5 =	vlt.s32 v59, $0x30;
	v41 =	vadd.s32 $0xFFFFFFFF, v20;
	v20 =	vadd.s32 v61, v40  }
0xc2: {  	v46 =	vadd.s32 $0xFFFFFFFF, v31;
	vm11 =	vlt.s32 v42, $0x30;
	v32 =	vadd.s32 v39, v60  }
0xc3: {  	[tilespmem:$0x1FFA0] =	vst v0;
	vm7 =	vlt.s32 v46, $0x30;
	v62, _, _ =	vpop (xrf0);
	v63 =	vadd.s32 $0xFFFFFFFF, v32;
	vm12 =	vlt.s32 v41, $0x30  }
0xc4: {  	s23 =	simm.s32 $0x6080;
	s22 =	simm.s32 $0x0;
	(xrf0) =	vadd.scan.msk.s32 $0xffff, v2;
	v43 =	vadd.s32 $0xFFFFFFFF, v20;
	v35 =	vadd.s32 v44, v62;
	vm13 =	vlt.s32 v63, $0x30;
	v20, _, _ =	vpop (xrf0)  }
.LBB2_5:
0xc5: {  	v38 =	vld [tilespmem:s23+$0x4010]  }
0xc6: {  	v39 =	vld [tilespmem:s23+$0x4020]  }
0xc7: {  	v45 =	vld [tilespmem:$0x1FED0]  }
0xc8: {  	v46 =	vld [tilespmem:$0x1FEE0]  }
0xc9: {  	v48 =	vld [tilespmem:$0x1FEF0]  }
0xca: {  	v49 =	vld [tilespmem:$0x1FF00]  }
0xcb: {  	vm1 =	vlt.s32 v43, $0x30;
	v5 =	vimm.s32 $0x0;
	v21 =	vadd.s32 $0xFFFFFFFF, v35;
	v52 =	vld [tilespmem:$0x1FFA0]  }
0xcc: {  	v20 =	vadd.s32 v20, v27;
	v3 =	vimm.s32 $0x0;
	v47 =	vimm.s32 $0x0;
	v53 =	vld [tilespmem:$0x1FF10]  }
0xcd: {  	v54 =	vld [tilespmem:$0x1FF20];
	v29 =	vadd.s32 $0x2F, v29;
	v4 =	vsel vm1, $0xFFFFFFFF, v5;
	vm1 =	vlt.s32 v21, $0x30  }
0xce: {  	v55 =	vld [tilespmem:$0x1FF30];
	v40 =	vadd.s32 $0xFFFFFFFF, v20;
	v2 =	vsel vm1, $0xFFFFFFFF, v3;
	v27, _, _ =	vpop (xrf0);
	vm1 =	vnez.u8 v45  }
0xcf: {  	v1 =	vmovc v51;
	v56 =	vld [tilespmem:$0x1FF40];
	v20 =	vmovc v51;
	v44 =	vadd.s32 v25, v27;
	v51 =	vsub.f32 v39, v10;
	vm3 =	vmand vm1, vm4  }
0xd0: {  	v58 =	vld [tilespmem:$0x1FF60];
	vm1 =	vlt.s32 v40, $0x30;
	v27 =	vadd.s32 $0xFFFFFFFF, v44;
	vm4 =	vnez.u8 v46  }
0xd1: {  	[tilespmem:$0x1FE90] =	vst v2;
	v25 =	vld [tilespmem:s23+$0x4030];
	v2 =	vadd.s32 $0x2F, v44;
	vm0 =	vmand vm4, vm0;
	vm1 =	vmand vm14, vm1  }
0xd2: {  	v0 =	vmovc v50;
	v46 =	vld [tilespmem:s23+$0x4060];
	vm14 =	vlt.s32 v27, $0x30;
	vm4 =	vnez.u8 v52;
	v52 =	vsub.f32 v39, v7  }
0xd3: {  	[tilespmem:$0x1FEC0] =	vst v0;
	v27 =	vld [tilespmem:s23+$0x4050];
	v0 =	vsel vm0, $0xFFFFFFFF, v47;
	vm0 =	vnez.u8 v48;
	vm14 =	vmand vm4, vm14  }
0xd4: {  	v21 =	vmovc v50;
	v50 =	vld [tilespmem:s23+$0x4000];
	v47 =	vsub.f32 v38, v10;
	vm0 =	vmand vm0, vm6;
	vm6 =	vnez.u8 v49  }
0xd5: {  	v60 =	vld [tilespmem:$0x1FF80];
	v48 =	vsub.f32 v38, v7;
	vm9 =	vmand vm6, vm9;
	vm6 =	vnez.u8 v53  }
0xd6: {  	v57 =	vld [tilespmem:$0x1FF50];
	vm8 =	vmand vm6, vm8;
	vm6 =	vnez.u8 v54;
	v54 =	vsub.f32 v25, v10  }
0xd7: {  	v45 =	vld [tilespmem:s23+$0x4040];
	v39 =	vsub.f32 v46, v10;
	vm6 =	vmand vm6, vm2;
	vm2 =	vnez.u8 v55  }
0xd8: {  	v49 =	vld [tilespmem:s23+$0x4070];
	v55 =	vsub.f32 v25, v7;
	[tilespmem:v33+s12+$0x0] =	vst.idx.msk vm3, v22;
	vm3 =	vnez.u8 v58;
	v38 =	vsub.f32 v27, v7  }
0xd9: {  	v59 =	vld [tilespmem:$0x1FF70];
	[tilespmem:$0x1FE80] =	vst v4;
	v33 =	vsub.f32 v50, v10;
	v25 =	vsub.f32 v50, v7;
	vm2 =	vmand vm2, vm10  }
0xda: {  	v61 =	vld [tilespmem:$0x1FE80];
	vm10 =	vnez.u8 v56;
	[tilespmem:v40+s12+$0x0] =	vst.idx.msk vm1, v15;
	v40 =	vsub.f32 v27, v10;
	vm1 =	vnez.u8 v60  }
0xdb: {  	v53 =	vld [tilespmem:s23+$0x10];
	v60 =	vadd.s32 $0x2F, v26;
	v26 =	vadd.s32 $0x2F, v30;
	v54 =	vmul.f32 v54, v54  }
0xdc: {  	vm5 =	vmand vm10, vm5;
	vm10 =	vnez.u8 v57;
	v57 =	vsub.f32 v45, v10  }
0xdd: {  	v62 =	vld [tilespmem:$0x1FF90];
	v45 =	vsub.f32 v45, v7;
	v27 =	vsub.f32 v49, v7;
	v55 =	vmul.f32 v55, v55  }
0xde: {  	v63 =	vld [tilespmem:$0x1FE90];
	v33 =	vmul.f32 v33, v33;
	vm10 =	vmand vm10, vm11;
	vm11 =	vmand vm15, vm7  }
0xdf: {  	v56 =	vld [tilespmem:s23+$0x2010];
	vm7 =	vmand vm3, vm12;
	[tilespmem:v34+s12+$0x0] =	vst.idx.msk vm0, v24;
	vm0 =	vnez.u8 v59;
	v34 =	vsub.f32 v46, v7  }
0xe0: {  	v59 =	vld [tilespmem:s23+$0x2020];
	vm3 =	vnez.u8 v61;
	v44 =	vsub.f32 v53, v12;
	v53 =	vsub.f32 v53, v9  }
0xe1: {  	[tilespmem:v2+s12+$0x0] =	vst.idx.msk vm14, v15;
	v46 =	vld [tilespmem:s23+$0x30];
	vm3 =	vmand vm1, vm3;
	v57 =	vmul.f32 v57, v57;
	v45 =	vmul.f32 v45, v45  }
0xe2: {  	v58 =	vld [tilespmem:s23+$0x20];
	vm1 =	vnez.u8 v62;
	v27 =	vmul.f32 v27, v27;
	[tilespmem:v36+s12+$0x0] =	vst.idx.msk vm8, v23;
	v44 =	vmul.f32 v44, v44  }
0xe3: {  	v36 =	vsub.f32 v49, v10;
	v53 =	vmul.f32 v53, v53;
	v34 =	vmul.f32 v34, v34  }
0xe4: {  	v62 =	vadd.s32 $0x2F, v28;
	v49 =	vsub.f32 v56, v11;
	v56 =	vsub.f32 v56, v8;
	[tilespmem:v29+s12+$0x0] =	vst.idx.msk vm6, v23  }
0xe5: {  	v23 =	vmul.f32 v47, v47;
	[tilespmem:v37+s12+$0x0] =	vst.idx.msk vm2, v16;
	vm2 =	vnez.u8 v63;
	v63 =	vsub.f32 v59, v11  }
0xe6: {  	[tilespmem:$0x1FEA0] =	vst v0;
	v29 =	vmul.f32 v48, v48;
	v59 =	vsub.f32 v59, v8;
	v30 =	vsub.f32 v46, v12  }
0xe7: {  	vm0 =	vmand vm0, vm13;
	v37 =	vld [tilespmem:s23+$0x2030];
	v15 =	vsub.f32 v46, v9;
	v49 =	vmul.f32 v49, v49;
	[tilespmem:v42+s12+$0x0] =	vst.idx.msk vm10, v18  }
0xe8: {  	v28 =	vadd.s32 $0x2F, v31;
	v46 =	vld [tilespmem:$0x1FEA0];
	v56 =	vmul.f32 v56, v56;
	[tilespmem:v41+s12+$0x0] =	vst.idx.msk vm7, v17;
	v41 =	vsub.f32 v58, v12  }
0xe9: {  	vm2 =	vmand vm1, vm2;
	v58 =	vsub.f32 v58, v9;
	[tilespmem:v62+s12+$0x0] =	vst.idx.msk vm9, v24;
	v62 =	vld [tilespmem:s23+$0x2070];
	v63 =	vmul.f32 v63, v63  }
0xea: {  	v50 =	vld [tilespmem:s23+$0x40];
	v59 =	vmul.f32 v59, v59;
	v44 =	vadd.f32 v49, v44;
	v49 =	vadd.f32 v56, v53  }
0xeb: {  	v24 =	vadd.s32 $0x2F, v35;
	v61 =	vld [tilespmem:s23+$0x2040];
	[tilespmem:v43+s12+$0x0] =	vst.idx.msk vm3, v19;
	v30 =	vmul.f32 v30, v30;
	v15 =	vmul.f32 v15, v15  }
0xec: {  	v4 =	vld [tilespmem:s23+$0x50];
	v41 =	vmul.f32 v41, v41;
	v58 =	vmul.f32 v58, v58;
	v29 =	vadd.f32 v29, v49  }
0xed: {  	[tilespmem:v28+s12+$0x0] =	vst.idx.msk vm11, v18;
	v18 =	vimm.s32 $0x0;
	v43 =	vsub.f32 v37, v11;
	v31 =	vsub.f32 v37, v8  }
0xee: {  	v48 =	vld [tilespmem:s23+$0x2060];
	vm1 =	vnez.u8 v46;
	v41 =	vadd.f32 v63, v41;
	v56 =	vadd.f32 v59, v58  }
0xef: {  	v63 =	vimm.s32 $0x0;
	v6 =	vsub.f32 v62, v11;
	v62 =	vsub.f32 v62, v8  }
0xf0: {  	[tilespmem:v26+s12+$0x0] =	vst.idx.msk vm5, v16;
	vm5 =	vlt.f32 v29, $9.999999770e-03;
	v37 =	vsub.f32 v61, v11;
	v35 =	vsub.f32 v50, v9  }
0xf1: {  	v46 =	vld [tilespmem:s23+$0x60];
	[tilespmem:v24+s12+$0x0] =	vst.idx.msk vm2, v19;
	v19 =	vimm.s32 $0x0;
	v42 =	vsub.f32 v61, v8;
	v47 =	vsub.f32 v4, v12  }
0xf2: {  	v4 =	vsub.f32 v4, v9;
	v43 =	vmul.f32 v43, v43;
	v31 =	vmul.f32 v31, v31  }
0xf3: {  	v2 =	vsub.f32 v48, v11;
	v6 =	vmul.f32 v6, v6;
	v59 =	vmul.f32 v62, v62  }
0xf4: {  	v5 =	vld [tilespmem:s23+$0x2050];
	v48 =	vsub.f32 v48, v8;
	v37 =	vmul.f32 v37, v37;
	v35 =	vmul.f32 v35, v35  }
0xf5: {  	s21 =	sadd.s32 $0x80, s21;
	v62 =	vlaneseq.u32;
	v42 =	vmul.f32 v42, v42;
	v47 =	vmul.f32 v47, v47  }
0xf6: {  	s28 =	sadd.s32 $0xFFFFFFA0, s21;
	v4 =	vmul.f32 v4, v4;
	v30 =	vadd.f32 v43, v30;
	v15 =	vadd.f32 v31, v15  }
0xf7: {  	v24 =	vor.u32 s28, v62;
	v61 =	vsub.f32 v46, v12;
	v46 =	vsub.f32 v46, v9  }
0xf8: {  	v2 =	vmul.f32 v2, v2;
	[tilespmem:v60+s12+$0x0] =	vst.idx.msk vm1, v22;
	v22 =	vadd.s32 $0x2F, v32;
	v32 =	vsub.f32 v50, v12  }
0xf9: {  	v50 =	vmul.f32 v51, v51;
	v51 =	vmul.f32 v52, v52;
	v52 =	vsub.f32 v5, v11  }
0xfa: {  	v48 =	vmul.f32 v48, v48;
	v5 =	vsub.f32 v5, v8;
	v30 =	vadd.f32 v54, v30  }
0xfb: {  	v60 =	vld [tilespmem:s23+$0x70];
	v54 =	vimm.s32 $0x0;
	v61 =	vmul.f32 v61, v61;
	v46 =	vmul.f32 v46, v46  }
0xfc: {  	v3 =	vld [tilespmem:s23+$0x0];
	v32 =	vmul.f32 v32, v32;
	v52 =	vmul.f32 v52, v52;
	v58 =	vadd.f32 v50, v41  }
0xfd: {  	[tilespmem:$0x1FEB0] =	vst v1;
	v1 =	vld [tilespmem:s23+$0x2000];
	v5 =	vmul.f32 v5, v5;
	v2 =	vadd.f32 v2, v61;
	v61 =	vadd.f32 v55, v15  }
0xfe: {  	vm10 =	vlt.f32 v30, $9.999999770e-03;
	v31 =	vadd.f32 v37, v32;
	v32 =	vadd.f32 v42, v35  }
0xff: {  	v15 =	vmul.f32 v36, v36;
	v52 =	vadd.f32 v52, v47;
	v4 =	vadd.f32 v5, v4  }
0x100: {  	v5 =	vadd.f32 v48, v46;
	vm9 =	vlt.f32 v58, $9.999999770e-03;
	v46 =	vimm.s32 $0x0  }
0x101: {  	v48 =	vimm.s32 $0x0;
	v0 =	vsub.f32 v60, v12;
	v60 =	vsub.f32 v60, v9  }
0x102: {  	vm3 =	vlt.f32 v61, $9.999999770e-03;
	v13 =	vsub.f32 v3, v12;
	v14 =	vsub.f32 v1, v11  }
0x103: {  	s0 =	sadd.s32 $0xFFFFFF90, s21;
	[tilespmem:v22+s12+$0x0] =	vst.idx.msk vm0, v17;
	v17 =	vmpcnt.ones.xlane vm5;
	v3 =	vsub.f32 v3, v9;
	v1 =	vsub.f32 v1, v8  }
0x104: {  	v22 =	vor.u32 s0, v62;
	v31 =	vadd.f32 v57, v31;
	v32 =	vadd.f32 v45, v32  }
0x105: {  	v5 =	vadd.f32 v34, v5;
	v45 =	vmpcnt.ones.xlane vm9;
	v19 =	vsel vm3, $0xFFFFFFFF, v19  }
0x106: {  	v0 =	vmul.f32 v0, v0;
	v53 =	vmul.f32 v60, v60;
	v60 =	vadd.f32 v51, v56  }
0x107: {  	[tilespmem:$0x1FF40] =	vst v19;
	v19 =	vsel vm3, $0x1, v63;
	v13 =	vmul.f32 v13, v13;
	v14 =	vmul.f32 v14, v14  }
0x108: {  	v3 =	vmul.f32 v3, v3;
	v1 =	vmul.f32 v1, v1;
	vm7 =	vlt.f32 v31, $9.999999770e-03  }
0x109: {  	vm15 =	vlt.f32 v32, $9.999999770e-03;
	vm2 =	vlt.f32 v5, $9.999999770e-03;
	v0 =	vadd.f32 v6, v0  }
0x10a: {  	vm4 =	vlt.f32 v60, $9.999999770e-03;
	v55 =	vsel vm7, $0x1, v63;
	v28 =	vsel vm15, $0x1, v63  }
0x10b: {  	v6 =	vadd.f32 v14, v13;
	v13 =	vmul.f32 v40, v40;
	v14 =	vadd.f32 v59, v53  }
0x10c: {  	v1 =	vadd.f32 v1, v3;
	v53 =	vadd.f32 v23, v44;
	v23 =	vmul.f32 v38, v38  }
0x10d: {  	v59 =	vmul.f32 v39, v39;
	v44 =	vmpcnt.ones.xlane vm7;
	v0 =	vadd.f32 v15, v0  }
0x10e: {  	v15 =	vor.u32 s21, v62;
	v13 =	vadd.f32 v13, v52;
	v4 =	vadd.f32 v23, v4  }
0x10f: {  	v2 =	vadd.f32 v59, v2;
	v23 =	vmul.f32 v25, v25;
	v6 =	vadd.f32 v33, v6  }
0x110: {  	v14 =	vadd.f32 v27, v14;
	vm8 =	vlt.f32 v53, $9.999999770e-03;
	v52 =	vimm.s32 $0x0  }
0x111: {  	v53 =	vsel vm4, $0x1, v63;
	v59 =	vsel vm2, $0x1, v63;
	vm11 =	vlt.f32 v0, $9.999999770e-03  }
0x112: {  	v5 =	vmpcnt.ones.xlane vm8;
	v49 =	vsel vm8, $0x1, v63;
	v1 =	vadd.f32 v23, v1  }
0x113: {  	vm6 =	vlt.f32 v13, $9.999999770e-03;
	vm0 =	vlt.f32 v2, $9.999999770e-03;
	vm12 =	vlt.f32 v4, $9.999999770e-03  }
0x114: {  	v43 =	vmpcnt.ones.xlane vm11;
	vm14 =	vlt.f32 v6, $9.999999770e-03;
	v6 =	vmpcnt.ones.xlane vm10  }
0x115: {  	s1 =	sadd.s32 $0xFFFFFFB0, s21;
	vm1 =	vlt.f32 v14, $9.999999770e-03;
	v2 =	vsel vm8, $0xFFFFFFFF, v48;
	v60 =	vsel vm11, $0x1, v63  }
0x116: {  	v23 =	vor.u32 s1, v62;
	v42 =	vmpcnt.ones.xlane vm0;
	v4 =	vmpcnt.ones.xlane vm6  }
0x117: {  	v13 =	vmpcnt.ones.xlane vm14;
	v18 =	vsel vm14, $0xFFFFFFFF, v18;
	[tilespmem:$0x1FEF0] =	vst v2;
	v2 =	vsel vm7, $0xFFFFFFFF, v54  }
0x118: {  	v56 =	vsel vm6, $0x1, v63;
	v57 =	vsel vm12, $0x1, v63;
	v58 =	vsel vm0, $0x1, v63  }
0x119: {  	v61 =	vsel vm1, $0x1, v63;
	vm13 =	vlt.f32 v1, $9.999999770e-03;
	[tilespmem:$0x1FED0] =	vst v18;
	v18 =	vsel vm14, $0x1, v63  }
0x11a: {  	vm14 =	vmmov vm11;
	v16 =	vmpcnt.ones.xlane vm13;
	v13 =	vadd.s32 v20, v13  }
0x11b: {  	v0 =	vsel vm13, $0xFFFFFFFF, v46;
	v47 =	vsel vm13, $0x1, v63;
	(xrf0) =	vadd.scan.msk.s32 $0xffff, v18;
	v18 =	vimm.s32 $0x0  }
0x11c: {  	v20 =	vimm.s32 $0x0;
	v5 =	vadd.s32 v13, v5;
	[tilespmem:$0x1FEE0] =	vst v0;
	v0 =	vsel vm4, $0xFFFFFFFF, v52  }
0x11d: {  	v18 =	vsel vm10, $0xFFFFFFFF, v18;
	v14 =	vadd.s32 v21, v16;
	v16 =	vmpcnt.ones.xlane vm4  }
0x11e: {  	(xrf0) =	vadd.scan.msk.s32 $0xffff, v47;
	v20 =	vsel vm6, $0xFFFFFFFF, v20;
	v29 =	vadd.s32 v14, v17;
	v17 =	vmpcnt.ones.xlane vm3  }
0x11f: {  	v1 =	vadd.s32 v5, v45;
	[tilespmem:$0x1FF30] =	vst v18;
	v30 =	vadd.s32 v29, v16;
	v16 =	vmpcnt.ones.xlane vm15  }
0x120: {  	v18 =	vsel vm10, $0x1, v63;
	(xrf0) =	vadd.scan.msk.s32 $0xffff, v49;
	v31 =	vadd.s32 v30, v17;
	v17 =	vmpcnt.ones.xlane vm12  }
0x121: {  	v6 =	vadd.s32 v1, v6;
	v32 =	vadd.s32 v31, v16;
	v16 =	vmpcnt.ones.xlane vm2  }
0x122: {  	v3 =	vadd.s32 v6, v44;
	v35 =	vadd.s32 v32, v17;
	v17 =	vmpcnt.ones.xlane vm1  }
0x123: {  	[tilespmem:$0x1FF20] =	vst v0;
	v45 =	vld [tilespmem:$0x1FEC0];
	v4 =	vadd.s32 v3, v4;
	v25 =	vadd.s32 v35, v16;
	v16 =	vimm.s32 $0x0  }
0x124: {  	[tilespmem:$0x1FF60] =	vst v20;
	v44, _, _ =	vpop (xrf0);
	v50 =	vadd.s32 v25, v17;
	v16 =	vsel vm5, $0xFFFFFFFF, v16;
	v17 =	vimm.s32 $0x0  }
0x125: {  	v27 =	vadd.s32 v4, v42;
	v21, _, _ =	vpop (xrf0);
	[tilespmem:$0x1FF00] =	vst v16;
	v16 =	vsel vm5, $0x1, v63;
	v17 =	vsel vm9, $0xFFFFFFFF, v17  }
0x126: {  	v46, _, _ =	vpop (xrf0);
	[tilespmem:$0x1FF10] =	vst v17;
	v17 =	vsel vm9, $0x1, v63;
	(xrf0) =	vadd.scan.msk.s32 $0xffff, v16;
	v16 =	vimm.s32 $0x0  }
0x127: {  	v51 =	vadd.s32 v27, v43;
	v20 =	vadd.s32 v46, v13;
	v16 =	vsel vm12, $0xFFFFFFFF, v16;
	(xrf0) =	vadd.scan.msk.s32 $0xffff, v17;
	v17 =	vld [tilespmem:$0x1FEB0]  }
0x128: {  	v26 =	vadd.s32 v45, v21;
	v34 =	vadd.s32 $0xFFFFFFFF, v20;
	[tilespmem:$0x1FF70] =	vst v16;
	v16 =	vimm.s32 $0x0  }
0x129: {  	s29 =	sadd.s32 $0xFFFFFFD0, s21;
	v47 =	vadd.s32 $0xFFFFFFFF, v26;
	vm6 =	vlt.s32 v34, $0x30;
	(xrf0) =	vadd.scan.msk.s32 $0xffff, v53;
	v16 =	vsel vm0, $0xFFFFFFFF, v16  }
0x12a: {  	s31 =	sadd.s32 $0xFFFFFFF0, s21;
	(xrf0) =	vadd.scan.msk.s32 $0xffff, v18;
	v18 =	vor.u32 s29, v62;
	[tilespmem:$0x1FF80] =	vst v16;
	v16 =	vimm.s32 $0x0  }
0x12b: {  	vm0 =	vlt.s32 v47, $0x30;
	(xrf0) =	vadd.scan.msk.s32 $0xffff, v19;
	v19 =	vor.u32 s31, v62;
	v16 =	vsel vm2, $0xFFFFFFFF, v16  }
0x12c: {  	s30 =	sadd.s32 $0xFFFFFFE0, s21;
	(xrf0) =	vadd.scan.msk.s32 $0xffff, v55;
	[tilespmem:$0x1FF90] =	vst v16;
	v16 =	vimm.s32 $0x0;
	v0 =	vadd.s32 v44, v17  }
0x12d: {  	s24 =	sadd.s32 $0xFFFFFFC0, s21;
	v17 =	vor.u32 s30, v62;
	v13, _, _ =	vpop (xrf0);
	(xrf0) =	vadd.scan.msk.s32 $0xffff, v28;
	v16 =	vsel vm1, $0xFFFFFFFF, v16;
	v33 =	vadd.s32 $0xFFFFFFFF, v0  }
0x12e: {  	v28 =	vadd.s32 v14, v13;
	v48, _, _ =	vpop (xrf0);
	(xrf0) =	vadd.scan.msk.s32 $0xffff, v56;
	[tilespmem:$0x1FFA0] =	vst v16;
	v16 =	vor.u32 s24, v62  }
0x12f: {  	vm4 =	vlt.s32 v33, $0x30;
	v49 =	vadd.s32 $0xFFFFFFFF, v28;
	v13 =	vadd.s32 v48, v5;
	v5, _, _ =	vpop (xrf0);
	(xrf0) =	vadd.scan.msk.s32 $0xffff, v57  }
0x130: {  	vm9 =	vlt.s32 v49, $0x30;
	v36 =	vadd.s32 $0xFFFFFFFF, v13;
	v29 =	vadd.s32 v29, v5;
	v52, _, _ =	vpop (xrf0);
	(xrf0) =	vadd.scan.msk.s32 $0xffff, v58  }
0x131: {  	vm8 =	vlt.s32 v36, $0x30;
	v13 =	vadd.s32 $0xFFFFFFFF, v29;
	v5 =	vadd.s32 v52, v1;
	v53, _, _ =	vpop (xrf0);
	(xrf0) =	vadd.scan.msk.s32 $0xffff, v59  }
0x132: {  	s22 =	sadd.s32 $0x8, s22;
	vm2 =	vlt.s32 v13, $0x30;
	v37 =	vadd.s32 $0xFFFFFFFF, v5;
	v30 =	vadd.s32 v30, v53;
	v54, _, _ =	vpop (xrf0);
	(xrf0) =	vadd.scan.msk.s32 $0xffff, v60  }
0x133: {  	p0 =	slt.u32 s22, $0x1F8;
	vm10 =	vlt.s32 v37, $0x30;
	v1 =	vadd.s32 $0xFFFFFFFF, v30;
	v5 =	vadd.s32 v54, v6;
	v55, _, _ =	vpop (xrf0)  }
.Ltmp1:
0x134: {  	vm5 =	vlt.s32 v1, $0x30;
	v42 =	vadd.s32 $0xFFFFFFFF, v5;
	v31 =	vadd.s32 v31, v55;
	v56, _, _ =	vpop (xrf0);
	(pc) =	sbr.rel @p0 .LBB2_5-.Ltmp1, $4  }
0x135: {  	vm11 =	vlt.s32 v42, $0x30;
	v57 =	vadd.s32 $0xFFFFFFFF, v31;
	v3 =	vadd.s32 v56, v3;
	v58, _, _ =	vpop (xrf0)  }
0x136: {  	vm7 =	vlt.s32 v57, $0x30;
	v41 =	vadd.s32 $0xFFFFFFFF, v3;
	v32 =	vadd.s32 v32, v58;
	v59, _, _ =	vpop (xrf0)  }
0x137: {  	(xrf0) =	vadd.scan.msk.s32 $0xffff, v61;
	vm12 =	vlt.s32 v41, $0x30;
	v60 =	vadd.s32 $0xFFFFFFFF, v32;
	v0 =	vadd.s32 v59, v4;
	v61, _, _ =	vpop (xrf0)  }
0x138: {  	s23 =	sadd.s32 $0x80, s23;
	[tilespmem:$0x1FF50] =	vst v2;
	vm13 =	vlt.s32 v60, $0x30;
	v43 =	vadd.s32 $0xFFFFFFFF, v0;
	v35 =	vadd.s32 v35, v61;
	v20, _, _ =	vpop (xrf0)  }
0x139: {  	v1 =	vld [tilespmem:$0x1FED0];
	_ =	sdelay $0x3  }
0x13a: {  	v0 =	vadd.s32 v20, v27  }
0x13b: {  	v0 =	vadd.s32 $0xFFFFFFFF, v0;
	vm1 =	vnez.u8 v1  }
0x13c: {  	vm3 =	vlt.s32 v0, $0x30;
	vm1 =	vmand vm1, vm4  }
0x13d: {  	vm3 =	vmand vm14, vm3;
	_ =	sdelay $0x1  }
0x13e: {  	v61 =	vld [tilespmem:$0x1FEF0]  }
0x13f: {  	v4 =	vld [tilespmem:$0x1FF10]  }
0x140: {  	v5 =	vld [tilespmem:$0x1FF30]  }
0x141: {  	v2 =	vld [tilespmem:$0x1FF50];
	[tilespmem:v33+s12+$0x0] =	vst.idx.msk vm1, v22  }
0x142: {  	v13 =	vld [tilespmem:$0x1FF60];
	[tilespmem:v0+s12+$0x0] =	vst.idx.msk vm3, v15  }
0x143: {  	vm14 =	vnez.u8 v61;
	v0 =	vld [tilespmem:$0x1FF80]  }
0x144: {  	vm4 =	vmand vm14, vm6;
	vm14 =	vnez.u8 v4;
	v20 =	vld [tilespmem:$0x1FFA0]  }
0x145: {  	v6, _, _ =	vpop (xrf0);
	vm6 =	vmand vm14, vm8;
	vm14 =	vnez.u8 v5  }
0x146: {  	v1 =	vadd.s32 v25, v6;
	vm8 =	vmand vm14, vm10;
	vm14 =	vnez.u8 v2  }
0x147: {  	v14 =	vadd.s32 $0xFFFFFFFF, v1;
	vm10 =	vmand vm14, vm11;
	vm11 =	vnez.u8 v13  }
0x148: {  	vm1 =	vmand vm11, vm12;
	vm12 =	vlt.s32 v43, $0x30;
	vm14 =	vnez.u8 v0  }
0x149: {  	vm11 =	vlt.s32 v14, $0x30;
	vm3 =	vmand vm14, vm12;
	vm12 =	vnez.u8 v20  }
0x14a: {  	[tilespmem:v34+s12+$0x0] =	vst.idx.msk vm4, v24;
	vm11 =	vmand vm12, vm11  }
0x14b: {  	v25 =	vadd.s32 $0x2F, v1;
	v21 =	vld [tilespmem:$0x1FEE0];
	[tilespmem:v36+s12+$0x0] =	vst.idx.msk vm6, v23  }
0x14c: {  	v27 =	vld [tilespmem:$0x1FF00];
	[tilespmem:v37+s12+$0x0] =	vst.idx.msk vm8, v16  }
0x14d: {  	v34 =	vld [tilespmem:$0x1FF20];
	[tilespmem:v42+s12+$0x0] =	vst.idx.msk vm10, v18  }
0x14e: {  	v3 =	vld [tilespmem:$0x1FF40];
	[tilespmem:v41+s12+$0x0] =	vst.idx.msk vm1, v17  }
0x14f: {  	[tilespmem:v43+s12+$0x0] =	vst.idx.msk vm3, v19  }
0x150: {  	vm12 =	vnez.u8 v21;
	v6 =	vld [tilespmem:$0x1FF70];
	[tilespmem:v25+s12+$0x0] =	vst.idx.msk vm11, v15  }
0x151: {  	vm15 =	vmand vm15, vm7;
	vm14 =	vnez.u8 v27;
	vm0 =	vmand vm12, vm0;
	v39 =	vld [tilespmem:$0x1FF90]  }
0x152: {  	v38 =	vadd.s32 $0x2F, v31;
	v33 =	vadd.s32 $0x2F, v26;
	vm4 =	vmand vm14, vm9  }
0x153: {  	v4 =	vadd.s32 $0xFFFFFFFF, v35;
	v36 =	vadd.s32 $0x2F, v28;
	vm12 =	vnez.u8 v34  }
0x154: {  	v5 =	vadd.s32 $0x2F, v30;
	vm2 =	vmand vm12, vm2;
	vm14 =	vnez.u8 v3  }
0x155: {  	v37 =	vadd.s32 $0x2F, v29;
	vm5 =	vmand vm14, vm5;
	vm8 =	vnez.u8 v6  }
0x156: {  	vm9 =	vlt.s32 v4, $0x30;
	vm3 =	vmand vm8, vm13;
	vm10 =	vnez.u8 v39  }
0x157: {  	v40 =	vadd.s32 $0x2F, v32;
	[tilespmem:v33+s12+$0x0] =	vst.idx.msk vm0, v22;
	vm6 =	vmand vm10, vm9  }
0x158: {  	v41 =	vadd.s32 $0x2F, v35;
	[tilespmem:v36+s12+$0x0] =	vst.idx.msk vm4, v24  }
0x159: {  	[tilespmem:v38+s12+$0x0] =	vst.idx.msk vm15, v18  }
0x15a: {  	[tilespmem:v37+s12+$0x0] =	vst.idx.msk vm2, v23  }
0x15b: {  	[tilespmem:v5+s12+$0x0] =	vst.idx.msk vm5, v16  }
0x15c: {  	[tilespmem:v40+s12+$0x0] =	vst.idx.msk vm3, v17  }
0x15d: {  	[tilespmem:v41+s12+$0x0] =	vst.idx.msk vm6, v19  }
0x15e: {  	v0 =	vld [tilespmem:$0xC300];
	_ =	sdelay $0x3  }
0x15f: {  	vm11 =	vmmov $0x1  }
0x160: {  	v42 =	vnsel vm11, $0x0, v0  }
0x161: {  	v1 =	vxor.u32 $0x80000000, v42  }
0x162: {  	(xrf0) =	vmax.scan.msk.u32 $0xffff, v1;
	_ =	sdelay $0x5  }
0x163: {  	v1, _, _ =	vpop (xrf0)  }
0x164: {  	(v2sf) =	vpush v1, $0xF;
	_ =	sdelay $0xc  }
0x165: {  	v43 =	vld [tilespmem:$0xC310];
	_ =	sdelay $0x1  }
0x166: {  	s0 =	spop (v2sf)  }
0x167: {  	v44 =	vor.u32 $0x10, v62;
	vm12 =	vgt.s32 v51, v62;
	s0 =	sxor.u32 $0x80000000, s0  }
0x168: {  	vm13 =	vgt.s32 v51, v44;
	v0 =	vnsel vm12, s0, v0  }
0x169: {  	v1 =	vnsel vm13, s0, v43  }
0x16a: {  	s28 =	sshll.u32 s19, $0x6;
	v45 =	vadd.s32 $0x2000, v0  }
0x16b: {  	[tilespmem:s28+$0xC380] =	vst v0;
	v46 =	vadd.s32 $0x2000, v1  }
0x16c: {  	[tilespmem:s28+$0xC390] =	vst v1;
	v47 =	vadd.s32 $0x4000, v0  }
0x16d: {  	v48 =	vadd.s32 $0x4000, v1;
	v0 =	vld.idx.msk [tilespmem:v0+s13+$0x0], $0xffff  }
0x16e: {  	v1 =	vld.idx.msk [tilespmem:v1+s13+$0x0], $0xffff  }
0x16f: {  	v3 =	vld.idx.msk [tilespmem:v45+s13+$0x0], $0xffff  }
0x170: {  	v4 =	vld.idx.msk [tilespmem:v46+s13+$0x0], $0xffff  }
0x171: {  	v5 =	vld.idx.msk [tilespmem:v47+s13+$0x0], $0xffff  }
0x172: {  	v6 =	vld.idx.msk [tilespmem:v48+s13+$0x0], $0xffff;
	v0 =	vsub.f32 v0, v12  }
0x173: {  	v1 =	vsub.f32 v1, v12  }
0x174: {  	v3 =	vsub.f32 v3, v11;
	[tilespmem:s28+$0xE380] =	vst v0  }
0x175: {  	s1 =	sand.u32 $0x1FC0, s28;
	v49 =	vsub.f32 v4, v11;
	[tilespmem:s28+$0xE390] =	vst v1  }
0x176: {  	v51 =	vsub.f32 v5, v10;
	[tilespmem:s1+$0x10380] =	vst v3  }
0x177: {  	v52 =	vsub.f32 v6, v10;
	[tilespmem:s28+$0x10390] =	vst v49  }
0x178: {  	[tilespmem:s1+$0x12380] =	vst v51  }
0x179: {  	[tilespmem:s28+$0x12390] =	vst v52  }
0x17a: {  	v0 =	vld [tilespmem:$0xC330];
	_ =	sdelay $0x4  }
0x17b: {  	v53 =	vnsel vm11, $0x0, v0  }
0x17c: {  	v1 =	vxor.u32 $0x80000000, v53  }
0x17d: {  	(xrf0) =	vmax.scan.msk.u32 $0xffff, v1;
	_ =	sdelay $0x5  }
0x17e: {  	v1, _, _ =	vpop (xrf0)  }
0x17f: {  	(v2sf) =	vpush v1, $0xF;
	_ =	sdelay $0xc  }
0x180: {  	v54 =	vld [tilespmem:$0xC340];
	_ =	sdelay $0x1  }
0x181: {  	s29 =	spop (v2sf)  }
0x182: {  	vm14 =	vgt.s32 v50, v62;
	s0 =	sxor.u32 $0x80000000, s29  }
0x183: {  	vm15 =	vgt.s32 v50, v44;
	v0 =	vnsel vm14, s0, v0  }
0x184: {  	v1 =	vnsel vm15, s0, v54  }
0x185: {  	s30 =	sshll.u32 s20, $0x5;
	v55 =	vadd.s32 $0x2000, v0  }
0x186: {  	[tilespmem:s30+$0xC380] =	vst v0;
	v56 =	vadd.s32 $0x2000, v1  }
0x187: {  	[tilespmem:s30+$0xC390] =	vst v1;
	v57 =	vadd.s32 $0x4000, v0  }
0x188: {  	v58 =	vadd.s32 $0x4000, v1;
	v0 =	vld.idx.msk [tilespmem:v0+s13+$0x0], $0xffff  }
0x189: {  	v1 =	vld.idx.msk [tilespmem:v1+s13+$0x0], $0xffff  }
0x18a: {  	v2 =	vld.idx.msk [tilespmem:v55+s13+$0x0], $0xffff  }
0x18b: {  	v3 =	vld.idx.msk [tilespmem:v56+s13+$0x0], $0xffff  }
0x18c: {  	v4 =	vld.idx.msk [tilespmem:v57+s13+$0x0], $0xffff  }
0x18d: {  	v5 =	vld.idx.msk [tilespmem:v58+s13+$0x0], $0xffff;
	v0 =	vsub.f32 v0, v9  }
0x18e: {  	s19 =	sadd.s32 $0x1, s19;
	v1 =	vsub.f32 v1, v9  }
0x18f: {  	p0 =	sne.s32 s19, $0x80;
	v2 =	vsub.f32 v2, v8;
	[tilespmem:s30+$0xE380] =	vst v0  }
.Ltmp2:
0x190: {  	s31 =	sand.u32 $0x1FE0, s30;
	v59 =	vsub.f32 v3, v8;
	[tilespmem:s30+$0xE390] =	vst v1;
	(pc) =	sbr.rel @p0 .LBB2_4-.Ltmp2, $4  }
0x191: {  	v60 =	vsub.f32 v4, v7;
	[tilespmem:s31+$0x10380] =	vst v2  }
0x192: {  	v61 =	vsub.f32 v5, v7;
	[tilespmem:s30+$0x10390] =	vst v59  }
0x193: {  	[tilespmem:s31+$0x12380] =	vst v60  }
0x194: {  	[tilespmem:s30+$0x12390] =	vst v61  }
0x195: {  	[hbm4b:s5+s2] =	stream.linear.scatter [tilespmem:s14], [sflag:$0x1], $0x2000, $0x38;
	[tilespmem:$0x14380] =	vst v63  }
0x196: {  	_ =	swait.ge [sflag:s10], $0x2000  }
0x197: {  	[sflag:s10] =	ssyncset.done $0x0  }
0x198: {  	[sflag:s10] =	ssyncadd.s32 $0xFFFFE000  }
0x199: {  	[hbm4b:s6+s2] =	stream.linear.scatter [tilespmem:s15], [sflag:$0x1], $0x2000, $0x38;
	[tilespmem:$0x14380] =	vst v63  }
0x19a: {  	_ =	swait.ge [sflag:s10], $0x2000  }
0x19b: {  	[sflag:s10] =	ssyncset.done $0x0  }
0x19c: {  	[sflag:s10] =	ssyncadd.s32 $0xFFFFE000  }
0x19d: {  	[hbm4b:s7+s2] =	stream.linear.scatter [tilespmem:s16], [sflag:$0x1], $0x2000, $0x38;
	[tilespmem:$0x14380] =	vst v63  }
0x19e: {  	_ =	swait.ge [sflag:s10], $0x2000  }
0x19f: {  	[sflag:s10] =	ssyncset.done $0x0  }
0x1a0: {  	s18 =	sadd.s32 $0x1, s18;
	[sflag:s10] =	ssyncadd.s32 $0xFFFFE000  }
0x1a1: {  	[hbm4b:s8+s2] =	stream.linear.scatter [tilespmem:s17], [sflag:$0x1], $0x2000, $0x38;
	[tilespmem:$0x14380] =	vst v63  }
0x1a2: {  	p0 =	sne.s32 s18, s9;
	_ =	swait.ge [sflag:s10], $0x2000  }
.Ltmp3:
0x1a3: {  	v0 =	vld [tilespmem:$0x1FFB0];
	(pc) =	sbr.rel @p0 .LBB2_1-.Ltmp3, $4  }
0x1a4: {  	v1 =	vld [tilespmem:$0x1FFC0]  }
0x1a5: {  	v2 =	vld [tilespmem:$0x1FFD0]  }
0x1a6: {  	[sflag:s10] =	ssyncset.done $0x0;
	v3 =	vld [tilespmem:$0x1FFE0]  }
0x1a7: {  	v4 =	vld [tilespmem:$0x1FFF0];
	[sflag:s10] =	ssyncadd.s32 $0xFFFFE000  }
0x1a8: {  	_ =	sfence.sel $0x180000  }
0x1a9: {  	[bflag:$0x0] =	sbarrier.arrive $0xFFFF  }
0x1aa: {  	_ =	strace $0x9000004A  }
0x1ab: {  	s0 =	stileid.u32;
	[bflag:$0x2] =	sbarrier.arrive $0xFFFF  }
0x1ac: {  	p0 =	sne.s32 s0, $0x0;
	s0 =	rddreg [dreg:$0x3]  }
0x1ad: {  	s0 =	sadd.s32 @!p0 $0x100000, s0  }
0x1ae: {  	[sflag:s0] =	ssyncadd.tile.s32 @!p0 $0x1;
	_ =	shalt  }
.Lfunc_end2:
_tile_overlayer_lowered:
.L_overlay_start_2:
0x1af: {  	(tag) =	ssettag $0x2  }
0x1b0: {  	s0 =	rddreg [dreg:$0x0];
	s2 =	stileid.u32  }
0x1b1: {  	s1 =	rddreg [dreg:$0x1];
	p0 =	sne.s32 s2, $0x0  }
0x1b2: {  	s3 =	rddreg [dreg:$0x2];
	[bflag:$0x3] =	sbarrier.arrive $0xFFFF;
	s2 =	simm.s32 @!p0 $0x1C01  }
0x1b3: {  	[timem:s3], [sflag:s2] =	dma.local @!p0 [hbm:s0], s1  }
0x1b4: {  	s0 =	simm.s32 @!p0 $0x1  }
0x1b5: {  	_ =	swait.ge @!p0 [sflag:s0], s1  }
0x1b6: {  	s1 =	ssub.s32 @!p0 $0x0, s1;
	[sflag:s0] =	ssyncset.done @!p0 $0x0  }
0x1b7: {  	[sflag:s0] =	ssyncadd.s32 @!p0 s1  }
0x1b8: {  	[bflag:$0x3] =	sbarrier.arrive $0xFFFF  }
0x1b9: {  	_ =	shalt  }

// kernel: kernel.7.cloned.1.call-start
scs
__scs_entry_jumppad:
0x0: {  	(pc) =	sbr.rel $0x88, $3  }
0x1: {  	(tag) =	ssettag $0x0;
	lr =	simm.s32 $0x1  }
0x2: {  	[smem:$0x3F9E] =	sst lr;
	_ =	strace $0xD0000000  }
0x3: {  	_ = 	snop  }
0x4: {  	_ = 	snop  }
0x5: {  	_ = 	snop  }
0x6: {  	_ = 	snop  }
0x7: {  	_ = 	snop  }
__scs_overlays_trampoline_lowered:
0x8: {  	[smem:$0x3FAD] =	sst s0  }
0x9: {  	[smem:$0x3FAE] =	sst s1  }
0xa: {  	[smem:$0x3FAF] =	sst s2  }
0xb: {  	[smem:$0x3FB0] =	sst s3  }
0xc: {  	[smem:$0x3FB1] =	sst s4  }
0xd: {  	[smem:$0x3FB2] =	sst s5  }
0xe: {  	[smem:$0x3FB3] =	sst s6  }
0xf: {  	[smem:$0x3FB4] =	sst s7  }
0x10: {  	[smem:$0x3FB5] =	sst s8  }
0x11: {  	[smem:$0x3FB6] =	sst s9;
	s0 =	simm.s32 @!p0 $0x0  }
0x12: {  	s1 =	sld [smem:$0x3F9C];
	s0 =	simm.s32 @p0 $0x1  }
0x13: {  	[smem:$0x3FB7] =	sst s0;
	s0 =	simm.s32 @!p1 $0x0  }
0x14: {  	s2 =	sld [smem:$0x3F9B];
	s0 =	simm.s32 @p1 $0x1  }
0x15: {  	[smem:$0x3FB8] =	sst s0;
	s0 =	simm.s32 @!p2 $0x0  }
0x16: {  	s3 =	sld [smem:$0x3FDB];
	s0 =	simm.s32 @p2 $0x1  }
0x17: {  	s4 =	simm.s32 $0x1BF5;
	[smem:$0x3FBA] =	sst s0  }
0x18: {  	s0 =	sld [smem:$0x3F9D];
	_ =	swait.ge [sflag:s4], $0x0  }
0x19: {  	s7 =	sld [smem:$0x3F9E]  }
0x1a: {  	s8 =	sadd.s32 $0xFFFFE003, lr  }
0x1b: {  	s9 =	sadd.s32 $0xFFFFFEF7, lr;
	s5 =	simm.s32 $0xFFFFFFFF;
	p2 =	slt.u32 s8, $0xFFFFF086  }
0x1c: {  	p1 =	slt.u32 s9, $0xF7A;
	s5 =	simm.s32 @!p2 $0x0  }
0x1d: {  	s5 =	simm.s32 @p1 $0x1;
	p0 =	seq.s32 s7, s2  }
0x1e: {  	s7 =	smul.u32 @!p0 $0xF7A, s2;
	p2 =	seq.s32 @!p0 s5, $0x0  }
0x1f: {  	s9 =	smul.u32 $0xF7A, s1;
	s8 =	simm.s32 @!p0 $0x1BF5;
	p2 =	por !p2, p0  }
0x20: {  	[sflag:s8] =	ssyncset.s32 @!p0 $0xFFFFF086;
	s6 =	sadd.s32 @!p0 s3, s7;
	s7 =	simm.s32 @!p0 $0x108  }
0x21: {  	s3 =	sadd.s32 s3, s9;
	s6 =	sadd.s32 @!p0 $0x88, s6;
	s7 =	simm.s32 @p2 $0x1082  }
0x22: {  	[simem:s7], [sflag:s8] =	dma.local @!p0 [hbm:s6], $0xF7A  }
0x23: {  	s9 =	sor.u32 $0xD0000000, s2;
	s6 =	simm.s32 $0x108;
	_ =	swait.ge @!p0 [sflag:s8], $0x0  }
0x24: {  	s3 =	sadd.s32 $0x88, s3;
	s6 =	simm.s32 @!p1 $0x1082;
	[sflag:s4] =	ssyncset.s32 $0xFFFFF086  }
0x25: {  	[simem:s6], [sflag:s4] =	dma.local [hbm:s3], $0xF7A  }
0x26: {  	[smem:$0x3F9E] =	sst s1;
	(tag) =	ssettag s2;
	_ =	strace s9  }
0x27: {  	s1 =	sld [smem:$0x3FAE]  }
0x28: {  	s2 =	sld [smem:$0x3FAF]  }
0x29: {  	s4 =	sld [smem:$0x3FB1]  }
0x2a: {  	p0 =	seq.s32 s5, $0x0;
	s5 =	sld [smem:$0x3FB2]  }
0x2b: {  	s6 =	sld [smem:$0x3FB3]  }
0x2c: {  	s7 =	sld [smem:$0x3FB4]  }
0x2d: {  	s3 =	simm.s32 $0x108;
	s8 =	sld [smem:$0x3FB5]  }
0x2e: {  	s3 =	simm.s32 @!p0 $0x1082;
	s9 =	sld [smem:$0x3FB6]  }
0x2f: {  	lr =	sadd.s32 s0, s3;
	s0 =	sld [smem:$0x3FAD]  }
0x30: {  	s3 =	sld [smem:$0x3FB0]  }
0x31: {  	[smem:$0x3FB9] =	sst s10  }
0x32: {  	s10 =	sld [smem:$0x3FB7];
	_ =	sdelay $0x3  }
0x33: {  	p0 =	seq.s32 s10, $0x1;
	s10 =	sld [smem:$0x3FB9];
	_ =	sdelay $0x3  }
0x34: {  	[smem:$0x3FB9] =	sst s10  }
0x35: {  	s10 =	sld [smem:$0x3FB8];
	_ =	sdelay $0x3  }
0x36: {  	p1 =	seq.s32 s10, $0x1;
	s10 =	sld [smem:$0x3FB9];
	_ =	sdelay $0x3  }
0x37: {  	[smem:$0x3FB9] =	sst s10  }
0x38: {  	s10 =	sld [smem:$0x3FBA]  }
0x39: {  	_ = 	snop;
	(pc) =	sbr.ind lr, $3  }
0x3a: {  	_ = 	snop  }
0x3b: {  	_ = 	snop  }
0x3c: {  	p2 =	seq.s32 s10, $0x1;
	s10 =	sld [smem:$0x3FB9]  }
0x3d: {  	_ =	shalt  }
0x3e: {  	_ =	shalt  }
0x3f: {  	_ =	shalt  }
0x40: {  	_ =	shalt  }
0x41: {  	_ =	shalt  }
0x42: {  	_ =	shalt  }
0x43: {  	_ =	shalt  }
0x44: {  	_ =	shalt  }
0x45: {  	_ =	shalt  }
0x46: {  	_ =	shalt  }
0x47: {  	_ =	shalt  }
0x48: {  	_ =	shalt  }
0x49: {  	_ =	shalt  }
0x4a: {  	_ =	shalt  }
0x4b: {  	_ =	shalt  }
0x4c: {  	_ =	shalt  }
0x4d: {  	_ =	shalt  }
0x4e: {  	_ =	shalt  }
0x4f: {  	_ =	shalt  }
0x50: {  	_ =	shalt  }
0x51: {  	_ =	shalt  }
0x52: {  	_ =	shalt  }
0x53: {  	_ =	shalt  }
0x54: {  	_ =	shalt  }
0x55: {  	_ =	shalt  }
0x56: {  	_ =	shalt  }
0x57: {  	_ =	shalt  }
0x58: {  	_ =	shalt  }
0x59: {  	_ =	shalt  }
0x5a: {  	_ =	shalt  }
0x5b: {  	_ =	shalt  }
0x5c: {  	_ =	shalt  }
0x5d: {  	_ =	shalt  }
0x5e: {  	_ =	shalt  }
0x5f: {  	_ =	shalt  }
0x60: {  	_ =	shalt  }
0x61: {  	_ =	shalt  }
0x62: {  	_ =	shalt  }
0x63: {  	_ =	shalt  }
0x64: {  	_ =	shalt  }
0x65: {  	_ =	shalt  }
0x66: {  	_ =	shalt  }
0x67: {  	_ =	shalt  }
0x68: {  	_ =	shalt  }
0x69: {  	_ =	shalt  }
0x6a: {  	_ =	shalt  }
0x6b: {  	_ =	shalt  }
0x6c: {  	_ =	shalt  }
0x6d: {  	_ =	shalt  }
0x6e: {  	_ =	shalt  }
0x6f: {  	_ =	shalt  }
0x70: {  	_ =	shalt  }
0x71: {  	_ =	shalt  }
0x72: {  	_ =	shalt  }
0x73: {  	_ =	shalt  }
0x74: {  	_ =	shalt  }
0x75: {  	_ =	shalt  }
0x76: {  	_ =	shalt  }
0x77: {  	_ =	shalt  }
0x78: {  	_ =	shalt  }
0x79: {  	_ =	shalt  }
0x7a: {  	_ =	shalt  }
0x7b: {  	_ =	shalt  }
0x7c: {  	_ =	shalt  }
0x7d: {  	_ =	shalt  }
0x7e: {  	_ =	shalt  }
0x7f: {  	_ =	shalt  }
0x80: {  	_ =	shalt  }
0x81: {  	_ =	shalt  }
0x82: {  	_ =	shalt  }
0x83: {  	_ =	shalt  }
0x84: {  	_ =	shalt  }
0x85: {  	_ =	shalt  }
0x86: {  	_ =	shalt  }
0x87: {  	_ =	shalt  }
.Lfunc_end0:
.L_simem_size_0:
called_computation.3_lowered:
.L_overlay_start_0:
0x88: {  	s2 =	sld [smem:$0x3FD9]  }
0x89: {  	s3 =	sld [smem:$0x3FFE];
	_ =	sdelay $0x1  }
0x8a: {  	s1 =	srdreg.scid  }
0x8b: {  	s0 =	sand.u32 $0x1, s1  }
0x8c: {  	s14 =	sshll.u32 s0, $0xA;
	s2 =	sadd.s32 s3, s2  }
0x8d: {  	s2 =	sadd.s32 s2, s14  }
0x8e: {  	[smem:$0x3FC5] =	sst s2  }
0x8f: {  	_ = 	snop  }
0x90: {  	s2 =	sld [smem:$0x3FD0];
	_ =	sdelay $0x2  }
0x91: {  	s15 =	simm.s32 $0xB;
	s4 =	simm.s32 $0x10  }
0x92: {  	[smem:s4], [sflag:s15] =	dma.local [hbm:s2], $0x1  }
0x93: {  	_ =	swait.eq [sflag:s15], $0x1  }
0x94: {  	[sflag:s15] =	ssyncset.done $0x0  }
0x95: {  	[sflag:s15] =	ssyncadd.s32 $0xFFFFFFFF  }
0x96: {  	s16 =	sld [smem:$0x11];
	(tm) =	ssettm $0x1  }
0x97: {  	s17 =	sld [smem:$0x3FFB];
	_ =	sdelay $0x3  }
0x98: {  	_ =	strace s17  }
0x99: {  	s3 =	sld [smem:$0x3FFC];
	_ =	sdelay $0x3  }
0x9a: {  	_ =	strace s3  }
0x9b: {  	s3 =	sld [smem:$0x3FFD];
	_ =	sdelay $0x3  }
0x9c: {  	_ =	strace s3  }
0x9d: {  	_ =	strace $0x8FFFFFFF  }
0x9e: {  	s18 =	sld [smem:$0x3FDB];
	_ =	sdelay $0x1  }
0x9f: {  	s19 =	simm.s32 $_scs_section_size  }
0xa0: {  	s5 =	simm.s32 $_size__tile_overlayer_lowered;
	s6 =	simm.s32 $_tile_overlayer_lowered  }
0xa1: {  	s22 =	simm.s32 $0x1BFF;
	s21 =	sshll.u32 s6, $0x1;
	s3 =	sadd.s32 s19, s18  }
0xa2: {  	s7 =	simm.s32 $0x0;
	s20 =	sshll.u32 s5, $0x1;
	s5 =	sadd.s32 s21, s3  }
0xa3: {  	[timem:s7], [sflag:s22] =	dma.local [hbm:s5], s20  }
0xa4: {  	_ =	swait.ge [sflag:s22], s20  }
0xa5: {  	s4 =	ssub.s32 $0x0, s20;
	[sflag:s22] =	ssyncset.done $0x0  }
0xa6: {  	[sflag:s22] =	ssyncadd.s32 s4;
	_ =	sdelay $0x1  }
0xa7: {  	s23 =	simm.s32 $0x1B8B  }
0xa8: {  	_ =	swait.ge [sflag:s23], $0x1  }
0xa9: {  	[sflag:s23] =	ssyncset.done $0x0  }
0xaa: {  	s25 =	simm.s32 $0x1B8E;
	s24 =	sld [smem:$0x3FFE];
	[sflag:s23] =	ssyncadd.s32 $0xFFFFFFFF  }
0xab: {  	s26 =	simm.s32 $execute0_lowered;
	[smem:$0x3FD2] =	sst s25  }
0xac: {  	s5 =	sshll.u32 s26, $0x1;
	_ =	strace $0x8000004C;
	[dreg:$0x1] =	wrdreg $0xFFFFFFFF  }
0xad: {  	s28 =	simm.s32 $_size_execute0_lowered;
	s3 =	sadd.s32 s3, s5;
	[dreg:$0x0] =	wrdreg $0x0  }
0xae: {  	s5 =	sshll.u32 s28, $0x1;
	[dreg:$0x2] =	wrdreg s3  }
0xaf: {  	[dreg:$0x3] =	wrdreg s5  }
0xb0: {  	[dreg:$0x4] =	wrdreg $0xC0  }
0xb1: {  	_ =	task [dreg:s7], $0x5FFFF  }
0xb2: {  	[dreg:$0x1] =	wrdreg $0xFFFFFFFF  }
0xb3: {  	[dreg:$0x0] =	wrdreg $0x60  }
0xb4: {  	[dreg:$0x2] =	wrdreg s24  }
0xb5: {  	[dreg:$0x3] =	wrdreg s16  }
0xb6: {  	[dreg:$0x4] =	wrdreg $0x9  }
0xb7: {  	_ =	task.clear_ibuf [dreg:s7], $0x5FFFF;
	_ =	strace $0x9000004C  }
0xb8: {  	s29 =	simm.s32 $0x9;
	_ =	strace $0x8000004E  }
0xb9: {  	_ =	swait.ge [sflag:s29], $0x1  }
0xba: {  	[sflag:s29] =	ssyncadd.s32 $0xFFFFFFFF  }
0xbb: {  	_ =	strace $0x9000004E  }
0xbc: {  	_ =	sfence  }
0xbd: {  	s30 =	sld [smem:$0x0];
	_ =	sdelay $0x2  }
0xbe: {  	s31 =	sshll.u32 s1, $0xD;
	s1 =	sshrl.u32 s1, $0x2  }
0xbf: {  	s3 =	sand.u32 $0x4000, s31;
	s1 =	sadd.s32 s1, s30  }
0xc0: {  	s0 =	sor.u32 s3, s0;
	s1 =	sshll.u32 s1, $0x11  }
0xc1: {  	s0 =	sor.u32 s1, s0  }
0xc2: {  	s0 =	sadd.s32 $0x8F2B, s0  }
0xc3: {  	[sflag:s0] =	ssyncadd.remote.s32 $0x1  }
0xc4: {  	_ =	sfence.sel $0xFFFF  }
0xc5: {  	[dreg:$0x0] =	wrdreg $0xFFFFFFFF;
	(pc) =	sbr.abs _section_cstart, $3  }
0xc6: {  	[dreg:$0x1] =	wrdreg $0xFFFFFFFF  }
0xc7: {  	_ =	task.clear_ibuf [dreg:s7], $0x2FFFF;
	_ =	strace $0x9FFFFFFF  }
0xc8: {  	(tm) =	ssettm $0x7FFFFFFF  }
0xc9: {  	_ =	shalt  }
tec
execute0_lowered:
.L_overlay_start_1:
0x0: {  	(tag) =	ssettag $0x1  }
0x1: {  	s0 =	rddreg [dreg:$0x0];
	s2 =	simm.s32 $0x0;
	s1 =	srdreg.scid  }
0x2: {  	s3 =	stileid.u32;
	[smem:$0x7FF] =	sst s2  }
0x3: {  	s1 =	sand.u32 $0x1, s1;
	s28 =	sadd.s32 $0x1A00, s0;
	s0 =	sadd.s32 $0x102600, s0  }
0x4: {  	s31 =	sshll.u32 s3, $0x4;
	_ =	strace $0x8000004D;
	s29 =	ssub.s32 $0x2, s1  }
0x5: {  	[dreg:$0x5] =	wrdreg s28;
	s1 =	sshll.u32 s1, $0x3;
	s30 =	sshrl.u32 s29, $0x1  }
0x6: {  	[dreg:$0x6] =	wrdreg s0;
	s1 =	sor.u32 s1, s31;
	s0 =	ssub.s32 s29, s30  }
0x7: {  	[dreg:$0x7] =	wrdreg s1;
	s0 =	smax.u32 s0, $0x1  }
0x8: {  	s9 =	simm.s32 $0x10000;
	s1 =	simm.s32 $0x0;
	[dreg:$0x8] =	wrdreg s0  }
.LBB2_1:
0x9: {  	[dreg:$0x9] =	wrdreg s1;
	s2 =	simm.s32 $0x0  }
.LBB2_2:
0xa: {  	s0 =	sshll.u32 s2, $0xD;
	s1 =	rddreg [dreg:$0x6]  }
0xb: {  	s28 =	simm.s32 $0x0;
	s29 =	simm.s32 $0x1;
	s0 =	sadd.s32 s1, s0  }
0xc: {  	[tilespmem:s28], [sflag:$0x1] =	stream.linear.gather [hbm4b:s0+s28], $0x10000, $0x38;
	[tilespmem:$0x1A000] =	vst v63  }
0xd: {  	_ =	swait.ge [sflag:s29], $0x10000  }
0xe: {  	s30 =	sshll.u32 s2, $0x8;
	s31 =	rddreg [dreg:$0x7]  }
0xf: {  	[dreg:$0xa] =	wrdreg s2;
	[sflag:s29] =	ssyncset.done $0x0;
	s0 =	sor.u32 s31, s30  }
0x10: {  	s1 =	simm.s32 $0x0;
	[sflag:s29] =	ssyncadd.s32 $0xFFFF0000;
	[dreg:$0xb] =	wrdreg s0  }
.LBB2_3:
0x11: {  	s0 =	rddreg [dreg:$0xb]  }
0x12: {  	[dreg:$0xc] =	wrdreg s1;
	s0 =	sadd.s32 s0, s1  }
0x13: {  	s2 =	rddreg [dreg:$0x5];
	s1 =	sshll.u32 s0, $0xA  }
0x14: {  	s30 =	simm.s32 $0x0;
	s31 =	simm.s32 $0x1;
	s1 =	sadd.s32 s2, s1  }
0x15: {  	[tilespmem:s9], [sflag:$0x1] =	stream.linear.gather [hbm4b:s1+s30], $0x2000, $0x38;
	[tilespmem:$0x1A000] =	vst v63  }
0x16: {  	_ =	swait.ge [sflag:s31], $0x2000  }
0x17: {  	[sflag:s31] =	ssyncset.done $0x0  }
0x18: {  	[sflag:s31] =	ssyncadd.s32 $0xFFFFE000  }
0x19: {  	s0 =	sshll.u32 s0, $0xD;
	s1 =	rddreg [dreg:$0x1]  }
0x1a: {  	s0 =	sadd.s32 s1, s0  }
0x1b: {  	p1 =	por $0x1, $0x1;
	[dreg:$0xd] =	wrdreg s0;
	s0 =	simm.s32 $0x0  }
.LBB2_4:
0x1c: {  	s1 =	sshll.u32 s0, $0xF  }
0x1d: {  	[dreg:$0xe] =	wrdreg s0;
	s0 =	sand.u32 $0x3FFF8000, s1  }
0x1e: {  	s22 =	sor.u32 $0x100, s0  }
0x1f: {  	v0 =	vld [tilespmem:s22+$0xE0]  }
0x20: {  	v1 =	vld [tilespmem:s22+$0xFFFFFF20]  }
0x21: {  	v2 =	vld [tilespmem:s22+$0xFFFFFF40]  }
0x22: {  	v3 =	vld [tilespmem:s22+$0xFFFFFF60];
	[dreg:$0x3] =	wrdreg s1  }
0x23: {  	v4 =	vld [tilespmem:s22+$0xFFFFFF80]  }
0x24: {  	v5 =	vld [tilespmem:s22+$0xFFFFFFA0]  }
0x25: {  	v6 =	vld [tilespmem:s22+$0xFFFFFFC0]  }
0x26: {  	v8 =	vld [tilespmem:s22+$0xFFFFFFE0]  }
0x27: {  	v9 =	vld [tilespmem:s22+$0x0]  }
0x28: {  	v10 =	vld [tilespmem:s22+$0x20]  }
0x29: {  	v11 =	vld [tilespmem:s22+$0x40]  }
0x2a: {  	v12 =	vld [tilespmem:s22+$0x60]  }
0x2b: {  	s6 =	sadd.s32 $0x0, s1;
	v13 =	vld [tilespmem:s22+$0x80]  }
0x2c: {  	s2 =	sadd.s32 $0x40, s6;
	v14 =	vld [tilespmem:s22+$0xC0]  }
0x2d: {  	s3 =	sadd.s32 $0x60, s6;
	s2 =	sor.u32 $0x50, s2;
	v15 =	vld [tilespmem:s22+$0xFFFFFF00]  }
0x2e: {  	s3 =	sor.u32 $0x70, s3;
	v17 =	vld [tilespmem:s2+$0x0]  }
0x2f: {  	v18 =	vld [tilespmem:s3+$0x0]  }
0x30: {  	v57 =	vld [tilespmem:s22+$0xFFFFFF10]  }
0x31: {  	v58 =	vld [tilespmem:s22+$0xFFFFFF90]  }
0x32: {  	s1 =	sadd.s32 $0x1E0, s6;
	v59 =	vld [tilespmem:s22+$0x10]  }
0x33: {  	s10 =	sadd.s32 $0xC0, s6;
	s1 =	sor.u32 $0x70, s1;
	v60 =	vld [tilespmem:s22+$0x90]  }
0x34: {  	s7 =	sadd.s32 $0x20, s6;
	s2 =	sor.u32 $0x50, s10;
	v7 =	vld [tilespmem:s1+$0x0]  }
0x35: {  	s8 =	sadd.s32 $0xA0, s6;
	s1 =	sor.u32 $0x30, s7;
	v20 =	vld [tilespmem:s2+$0x0]  }
0x36: {  	v16 =	vld [tilespmem:s1+$0x0];
	s1 =	sor.u32 $0x30, s8  }
0x37: {  	v19 =	vld [tilespmem:s1+$0x0]  }
0x38: {  	v0 =	vld.idx.msk [tilespmem:v0+s9+$0x0], $0xffff  }
0x39: {  	v1 =	vld.idx.msk [tilespmem:v1+s9+$0x0], $0xffff  }
0x3a: {  	v2 =	vld.idx.msk [tilespmem:v2+s9+$0x0], $0xffff  }
0x3b: {  	v3 =	vld.idx.msk [tilespmem:v3+s9+$0x0], $0xffff  }
0x3c: {  	v4 =	vld.idx.msk [tilespmem:v4+s9+$0x0], $0xffff  }
0x3d: {  	v5 =	vld.idx.msk [tilespmem:v5+s9+$0x0], $0xffff  }
0x3e: {  	v6 =	vld.idx.msk [tilespmem:v6+s9+$0x0], $0xffff  }
0x3f: {  	v8 =	vld.idx.msk [tilespmem:v8+s9+$0x0], $0xffff  }
0x40: {  	v15 =	vld.idx.msk [tilespmem:v15+s9+$0x0], $0xffff  }
0x41: {  	v9 =	vld.idx.msk [tilespmem:v9+s9+$0x0], $0xffff  }
0x42: {  	v10 =	vld.idx.msk [tilespmem:v10+s9+$0x0], $0xffff  }
0x43: {  	s19 =	simm.s32 $0x12100;
	v11 =	vld.idx.msk [tilespmem:v11+s9+$0x0], $0xffff  }
0x44: {  	v12 =	vld.idx.msk [tilespmem:v12+s9+$0x0], $0xffff;
	[tilespmem:s19+$0xE0] =	vst v0  }
0x45: {  	v0 =	vld.idx.msk [tilespmem:v7+s9+$0x0], $0xffff  }
0x46: {  	[tilespmem:s19+$0xFFFFFF20] =	vst v1;
	v7 =	vld [tilespmem:s22+$0xA0]  }
0x47: {  	s12 =	sadd.s32 $0x120, s6;
	v13 =	vld.idx.msk [tilespmem:v13+s9+$0x0], $0xffff;
	[tilespmem:s19+$0xFFFFFF40] =	vst v2  }
0x48: {  	s13 =	sadd.s32 $0x140, s6;
	s1 =	sor.u32 $0x30, s12;
	v14 =	vld.idx.msk [tilespmem:v14+s9+$0x0], $0xffff;
	[tilespmem:s19+$0xFFFFFF60] =	vst v3  }
0x49: {  	s15 =	sadd.s32 $0x1A0, s6;
	s2 =	sor.u32 $0x50, s13;
	v1 =	vld [tilespmem:s1+$0x0];
	[tilespmem:s19+$0xFFFFFFA0] =	vst v5  }
0x4a: {  	s0 =	sadd.s32 $0x1C0, s6;
	v2 =	vld [tilespmem:s2+$0x0];
	s1 =	sor.u32 $0x30, s15;
	[tilespmem:s19+$0xFFFFFFC0] =	vst v6  }
0x4b: {  	s0 =	sor.u32 $0x50, s0;
	v5 =	vld [tilespmem:s1+$0x0];
	[tilespmem:s19+$0x20] =	vst v10  }
0x4c: {  	v6 =	vld [tilespmem:s0+$0x0];
	[tilespmem:s19+$0x40] =	vst v11  }
0x4d: {  	[tilespmem:s19+$0xC0] =	vst v14;
	v61 =	vld.idx.msk [tilespmem:v17+s9+$0x0], $0xffff  }
0x4e: {  	s4 =	simm.s32 $0x1E0;
	s11 =	sadd.s32 $0xE0, s6;
	[tilespmem:s19+$0xFFFFFF00] =	vst v15;
	v7 =	vld.idx.msk [tilespmem:v7+s9+$0x0], $0xffff  }
0x4f: {  	s4 =	sor.u32 $0x70, s4;
	s3 =	sor.u32 $0x70, s11;
	v62 =	vld.idx.msk [tilespmem:v18+s9+$0x0], $0xffff;
	[tilespmem:s19+$0xFFFFFF80] =	vst v4  }
0x50: {  	s14 =	sadd.s32 $0x160, s6;
	[tilespmem:s4+$0x12000] =	vst v0;
	v0 =	vld [tilespmem:s3+$0x0]  }
0x51: {  	[tilespmem:s19+$0x0] =	vst v9;
	v4 =	vld.idx.msk [tilespmem:v19+s9+$0x0], $0xffff;
	s3 =	sor.u32 $0x70, s14  }
0x52: {  	[tilespmem:s19+$0x80] =	vst v13;
	v3 =	vld [tilespmem:s3+$0x0]  }
0x53: {  	s17 =	simm.s32 $0x40;
	[tilespmem:s19+$0xA0] =	vst v7;
	v7 =	vld.idx.msk [tilespmem:v16+s9+$0x0], $0xffff  }
0x54: {  	s18 =	simm.s32 $0x60;
	s1 =	sor.u32 $0x50, s17;
	v63 =	vld.idx.msk [tilespmem:v20+s9+$0x0], $0xffff;
	[tilespmem:s19+$0xFFFFFFE0] =	vst v8  }
0x55: {  	s2 =	sor.u32 $0x70, s18;
	v10 =	vld.idx.msk [tilespmem:v58+s9+$0x0], $0xffff;
	[tilespmem:s1+$0x12000] =	vst v61  }
0x56: {  	s16 =	simm.s32 $0x20;
	v11 =	vld.idx.msk [tilespmem:v59+s9+$0x0], $0xffff;
	[tilespmem:s2+$0x12000] =	vst v62  }
0x57: {  	s21 =	simm.s32 $0xC0;
	s0 =	sor.u32 $0x30, s16;
	v8 =	vld.idx.msk [tilespmem:v57+s9+$0x0], $0xffff;
	[tilespmem:s19+$0x60] =	vst v12  }
0x58: {  	s1 =	sor.u32 $0x50, s21;
	[tilespmem:s0+$0x12000] =	vst v7;
	v7 =	vld.idx.msk [tilespmem:v0+s9+$0x0], $0xffff  }
0x59: {  	s20 =	simm.s32 $0xA0;
	s23 =	simm.s32 $0xE0;
	s25 =	simm.s32 $0x120;
	[tilespmem:s1+$0x12000] =	vst v63;
	v0 =	vld.idx.msk [tilespmem:v1+s9+$0x0], $0xffff  }
0x5a: {  	s26 =	simm.s32 $0x140;
	s29 =	simm.s32 $0x160;
	s30 =	simm.s32 $0x1A0;
	[tilespmem:s19+$0xFFFFFF90] =	vst v10;
	v1 =	vld.idx.msk [tilespmem:v2+s9+$0x0], $0xffff  }
0x5b: {  	s31 =	simm.s32 $0x1C0;
	p0 =	por p1, p1;
	s24 =	sor.u32 $0x70, s23;
	[tilespmem:s19+$0x10] =	vst v11;
	v2 =	vld.idx.msk [tilespmem:v3+s9+$0x0], $0xffff  }
0x5c: {  	s28 =	sor.u32 $0x30, s25;
	s25 =	sor.u32 $0x50, s26;
	[tilespmem:s19+$0xFFFFFF10] =	vst v8;
	s0 =	sor.u32 $0x30, s20;
	v3 =	vld.idx.msk [tilespmem:v60+s9+$0x0], $0xffff  }
0x5d: {  	s26 =	sor.u32 $0x70, s29;
	s23 =	sor.u32 $0x50, s31;
	s22 =	sadd.s32 $0x200, s22;
	[tilespmem:s0+$0x12000] =	vst v4;
	v4 =	vld.idx.msk [tilespmem:v5+s9+$0x0], $0xffff  }
0x5e: {  	s21 =	simm.s32 $0x0;
	s20 =	simm.s32 $0x0;
	v5 =	vld.idx.msk [tilespmem:v6+s9+$0x0], $0xffff;
	[tilespmem:s24+$0x12000] =	vst v7;
	s24 =	sor.u32 $0x30, s30  }
.LBB2_5:
0x5f: {  	v6 =	vld [tilespmem:s22+$0xE0]  }
0x60: {  	v8 =	vld [tilespmem:s22+$0xFFFFFFE0]  }
0x61: {  	v9 =	vld [tilespmem:s22+$0x0]  }
0x62: {  	v15 =	vld [tilespmem:s22+$0xFFFFFF00]  }
0x63: {  	v59 =	vld [tilespmem:s22+$0xFFFFFF10]  }
0x64: {  	v60 =	vld [tilespmem:s22+$0xFFFFFF90]  }
0x65: {  	[tilespmem:s28+$0x12000] =	vst v0;
	v0 =	vld [tilespmem:s22+$0xFFFFFF20]  }
0x66: {  	[tilespmem:s25+$0x12000] =	vst v1;
	v1 =	vld [tilespmem:s22+$0xFFFFFF40]  }
0x67: {  	s20 =	sadd.s32 $0x200, s20;
	s0 =	rddreg [dreg:$0x3];
	[tilespmem:s26+$0x12000] =	vst v2;
	v2 =	vld [tilespmem:s22+$0xFFFFFF60]  }
0x68: {  	s0 =	sadd.s32 s20, s0;
	[tilespmem:s19+$0x90] =	vst v3;
	v3 =	vld [tilespmem:s22+$0xFFFFFF80]  }
0x69: {  	s2 =	sadd.s32 $0x1E0, s0;
	[tilespmem:s24+$0x12000] =	vst v4;
	v4 =	vld [tilespmem:s22+$0xFFFFFFA0]  }
0x6a: {  	s2 =	sor.u32 $0x70, s2;
	[tilespmem:s23+$0x12000] =	vst v5;
	v5 =	vld [tilespmem:s22+$0xFFFFFFC0]  }
0x6b: {  	v7 =	vld [tilespmem:s2+$0x0]  }
0x6c: {  	v10 =	vld [tilespmem:s22+$0x20]  }
0x6d: {  	v11 =	vld [tilespmem:s22+$0x40]  }
0x6e: {  	v12 =	vld [tilespmem:s22+$0x60]  }
0x6f: {  	s1 =	sadd.s32 $0x20, s0;
	s5 =	sadd.s32 $0x60, s0;
	s6 =	sadd.s32 $0xA0, s0;
	v13 =	vld [tilespmem:s22+$0x80]  }
0x70: {  	s12 =	sadd.s32 $0x120, s0;
	s16 =	sadd.s32 $0x140, s0;
	s2 =	sor.u32 $0x30, s1;
	v14 =	vld [tilespmem:s22+$0xC0]  }
0x71: {  	s17 =	sadd.s32 $0x160, s0;
	s14 =	sor.u32 $0x30, s6;
	s6 =	sor.u32 $0x50, s16;
	v55 =	vld [tilespmem:s2+$0x0]  }
0x72: {  	s18 =	sadd.s32 $0x1A0, s0;
	s1 =	sor.u32 $0x30, s12;
	s12 =	sor.u32 $0x70, s17;
	v56 =	vld [tilespmem:s6+$0x0]  }
0x73: {  	s15 =	sor.u32 $0x70, s5;
	s5 =	sor.u32 $0x30, s18;
	v57 =	vld [tilespmem:s12+$0x0]  }
0x74: {  	v58 =	vld [tilespmem:s5+$0x0]  }
0x75: {  	v61 =	vld [tilespmem:s22+$0x90]  }
0x76: {  	v6 =	vld.idx.msk [tilespmem:v6+s9+$0x0], $0xffff  }
0x77: {  	v54 =	vld.idx.msk [tilespmem:v15+s9+$0x0], $0xffff  }
0x78: {  	v9 =	vld.idx.msk [tilespmem:v9+s9+$0x0], $0xffff  }
0x79: {  	v0 =	vld.idx.msk [tilespmem:v0+s9+$0x0], $0xffff  }
0x7a: {  	v1 =	vld.idx.msk [tilespmem:v1+s9+$0x0], $0xffff  }
0x7b: {  	v2 =	vld.idx.msk [tilespmem:v2+s9+$0x0], $0xffff  }
0x7c: {  	v3 =	vld.idx.msk [tilespmem:v3+s9+$0x0], $0xffff  }
0x7d: {  	v4 =	vld.idx.msk [tilespmem:v4+s9+$0x0], $0xffff  }
0x7e: {  	v5 =	vld.idx.msk [tilespmem:v5+s9+$0x0], $0xffff  }
0x7f: {  	v10 =	vld.idx.msk [tilespmem:v10+s9+$0x0], $0xffff  }
0x80: {  	v11 =	vld.idx.msk [tilespmem:v11+s9+$0x0], $0xffff  }
0x81: {  	v12 =	vld.idx.msk [tilespmem:v12+s9+$0x0], $0xffff  }
0x82: {  	s19 =	sadd.s32 $0x200, s19;
	v13 =	vld.idx.msk [tilespmem:v13+s9+$0x0], $0xffff  }
0x83: {  	[tilespmem:s19+$0xE0] =	vst v6;
	v14 =	vld.idx.msk [tilespmem:v14+s9+$0x0], $0xffff  }
0x84: {  	s3 =	sadd.s32 $0x20, s20;
	s4 =	sadd.s32 $0x40, s0;
	v6 =	vld.idx.msk [tilespmem:v7+s9+$0x0], $0xffff  }
0x85: {  	s31 =	sadd.s32 $0x40, s20;
	s7 =	sadd.s32 $0xC0, s0;
	s8 =	sor.u32 $0x50, s4;
	v7 =	vld [tilespmem:s22+$0xA0]  }
0x86: {  	s11 =	sadd.s32 $0xE0, s0;
	s29 =	sor.u32 $0x50, s31;
	s13 =	sor.u32 $0x50, s7;
	[tilespmem:s19+$0xFFFFFF20] =	vst v0;
	v0 =	vld [tilespmem:s8+$0x0]  }
0x87: {  	s4 =	sor.u32 $0x70, s11;
	s18 =	sadd.s32 $0x1A0, s20;
	s7 =	sor.u32 $0x30, s3;
	[tilespmem:s19+$0xFFFFFF40] =	vst v1;
	v1 =	vld [tilespmem:s15+$0x0]  }
0x88: {  	s24 =	sadd.s32 $0x60, s20;
	s26 =	sadd.s32 $0xA0, s20;
	s17 =	sadd.s32 $0x160, s20;
	[tilespmem:s19+$0xFFFFFF60] =	vst v2;
	v2 =	vld [tilespmem:s14+$0x0]  }
0x89: {  	s31 =	sor.u32 $0x30, s26;
	s26 =	sor.u32 $0x70, s17;
	s17 =	sadd.s32 $0x1E0, s20;
	[tilespmem:s19+$0xFFFFFFA0] =	vst v4;
	v4 =	vld [tilespmem:s13+$0x0]  }
0x8a: {  	s3 =	sor.u32 $0x70, s24;
	s24 =	sor.u32 $0x30, s18;
	s18 =	sor.u32 $0x70, s17;
	[tilespmem:s19+$0xFFFFFFC0] =	vst v5;
	v5 =	vld [tilespmem:s4+$0x0]  }
0x8b: {  	[tilespmem:s18+$0x12000] =	vst v6;
	v6 =	vld.idx.msk [tilespmem:v8+s9+$0x0], $0xffff  }
0x8c: {  	[tilespmem:s19+$0xFFFFFF80] =	vst v3;
	v3 =	vld [tilespmem:s22+$0x10]  }
0x8d: {  	[tilespmem:s19+$0xFFFFFF00] =	vst v54;
	v62 =	vld.idx.msk [tilespmem:v55+s9+$0x0], $0xffff  }
0x8e: {  	[tilespmem:s19+$0x0] =	vst v9;
	v8 =	vld.idx.msk [tilespmem:v60+s9+$0x0], $0xffff  }
0x8f: {  	[tilespmem:s19+$0x40] =	vst v11;
	v7 =	vld.idx.msk [tilespmem:v7+s9+$0x0], $0xffff  }
0x90: {  	[tilespmem:s19+$0xFFFFFFE0] =	vst v6;
	v6 =	vld [tilespmem:s1+$0x0]  }
0x91: {  	[tilespmem:s19+$0x60] =	vst v12;
	v0 =	vld.idx.msk [tilespmem:v0+s9+$0x0], $0xffff  }
0x92: {  	[tilespmem:s19+$0x80] =	vst v13;
	v1 =	vld.idx.msk [tilespmem:v1+s9+$0x0], $0xffff  }
0x93: {  	[tilespmem:s7+$0x12000] =	vst v62;
	v2 =	vld.idx.msk [tilespmem:v2+s9+$0x0], $0xffff  }
0x94: {  	s0 =	sadd.s32 $0x1C0, s0;
	[tilespmem:s19+$0x20] =	vst v10;
	v4 =	vld.idx.msk [tilespmem:v4+s9+$0x0], $0xffff  }
0x95: {  	s11 =	sor.u32 $0x50, s0;
	[tilespmem:s19+$0xFFFFFF90] =	vst v8;
	v5 =	vld.idx.msk [tilespmem:v5+s9+$0x0], $0xffff  }
0x96: {  	[tilespmem:s19+$0xA0] =	vst v7;
	v7 =	vld [tilespmem:s11+$0x0]  }
0x97: {  	v63 =	vld.idx.msk [tilespmem:v3+s9+$0x0], $0xffff;
	[tilespmem:s19+$0xC0] =	vst v14  }
0x98: {  	s21 =	sadd.s32 $0x10, s21;
	s30 =	sadd.s32 $0xC0, s20;
	v3 =	vld.idx.msk [tilespmem:v61+s9+$0x0], $0xffff;
	[tilespmem:s29+$0x12000] =	vst v0  }
0x99: {  	p1 =	slt.u32 s21, $0x3F0;
	s30 =	sor.u32 $0x50, s30;
	s28 =	sadd.s32 $0xE0, s20;
	v14 =	vld.idx.msk [tilespmem:v59+s9+$0x0], $0xffff;
	[tilespmem:s3+$0x12000] =	vst v1  }
.Ltmp0:
0x9a: {  	[dreg:$0x4] =	wrdreg s30;
	s30 =	sor.u32 $0x70, s28;
	[tilespmem:s31+$0x12000] =	vst v2;
	v1 =	vld.idx.msk [tilespmem:v56+s9+$0x0], $0xffff;
	(pc) =	sbr.rel @p1 .LBB2_5-.Ltmp0, $4  }
0x9b: {  	v2 =	vld.idx.msk [tilespmem:v57+s9+$0x0], $0xffff;
	s31 =	rddreg [dreg:$0x4];
	[tilespmem:s30+$0x12000] =	vst v5  }
0x9c: {  	s16 =	sadd.s32 $0x140, s20;
	[tilespmem:s31+$0x12000] =	vst v4;
	v4 =	vld.idx.msk [tilespmem:v58+s9+$0x0], $0xffff  }
0x9d: {  	s10 =	sadd.s32 $0x120, s20;
	s0 =	sadd.s32 $0x1C0, s20;
	s25 =	sor.u32 $0x50, s16;
	[tilespmem:s19+$0x10] =	vst v63;
	v0 =	vld.idx.msk [tilespmem:v6+s9+$0x0], $0xffff  }
0x9e: {  	s23 =	sor.u32 $0x50, s0;
	s28 =	sor.u32 $0x30, s10;
	s22 =	sadd.s32 $0x200, s22;
	[tilespmem:s19+$0xFFFFFF10] =	vst v14;
	v5 =	vld.idx.msk [tilespmem:v7+s9+$0x0], $0xffff  }
0x9f: {  	[tilespmem:s25+$0x12000] =	vst v1  }
0xa0: {  	[tilespmem:s19+$0x90] =	vst v3  }
0xa1: {  	[tilespmem:s26+$0x12000] =	vst v2  }
0xa2: {  	[tilespmem:s24+$0x12000] =	vst v4  }
0xa3: {  	[tilespmem:s28+$0x12000] =	vst v0  }
0xa4: {  	s0 =	rddreg [dreg:$0xe];
	[tilespmem:s23+$0x12000] =	vst v5  }
0xa5: {  	s0 =	sshll.u32 s0, $0xC;
	s1 =	rddreg [dreg:$0xd]  }
0xa6: {  	s31 =	simm.s32 $0x0;
	s2 =	simm.s32 $0x12000;
	s0 =	sadd.s32 s0, s1  }
0xa7: {  	[hbm4b:s0+s31] =	stream.linear.scatter [tilespmem:s2], [sflag:$0x1], $0x8000, $0x38;
	[tilespmem:$0x1A000] =	vst v63  }
.Ltmp1:
0xa8: {  	_ = 	snop;
	(pc) =	sbr.rel @p0 .LBB2_4-.Ltmp1, $4  }
0xa9: {  	s0 =	simm.s32 $0x1  }
0xaa: {  	_ =	swait.ge [sflag:s0], $0x8000  }
0xab: {  	[sflag:s0] =	ssyncset.done $0x0  }
0xac: {  	p1 =	por $0x0, $0x0;
	[sflag:s0] =	ssyncadd.s32 $0xFFFF8000  }
0xad: {  	s1 =	rddreg [dreg:$0xc]  }
0xae: {  	s1 =	sadd.s32 $0x1, s1  }
0xaf: {  	p0 =	sne.s32 s1, $0x8  }
.Ltmp2:
0xb0: {  	_ = 	snop;
	(pc) =	sbr.rel @p0 .LBB2_3-.Ltmp2, $1  }
0xb1: {  	_ =	sdelay $0x3  }
0xb2: {  	s2 =	rddreg [dreg:$0xa]  }
0xb3: {  	s2 =	sadd.s32 $0x1, s2  }
0xb4: {  	p0 =	sne.s32 s2, $0x4  }
.Ltmp3:
0xb5: {  	_ = 	snop;
	(pc) =	sbr.rel @p0 .LBB2_2-.Ltmp3, $1  }
0xb6: {  	_ =	sdelay $0x3  }
0xb7: {  	s1 =	rddreg [dreg:$0x9]  }
0xb8: {  	s0 =	rddreg [dreg:$0x8];
	s1 =	sadd.s32 $0x1, s1  }
0xb9: {  	p0 =	sne.s32 s1, s0  }
.Ltmp4:
0xba: {  	_ = 	snop;
	(pc) =	sbr.rel @p0 .LBB2_1-.Ltmp4, $1  }
0xbb: {  	_ =	sdelay $0x3  }
0xbc: {  	_ =	sfence.sel $0x180000  }
0xbd: {  	[bflag:$0x0] =	sbarrier.arrive $0xFFFF  }
0xbe: {  	_ =	strace $0x9000004D  }
0xbf: {  	s0 =	stileid.u32;
	[bflag:$0x2] =	sbarrier.arrive $0xFFFF  }
0xc0: {  	p0 =	sne.s32 s0, $0x0;
	s0 =	rddreg [dreg:$0x2]  }
0xc1: {  	s0 =	sadd.s32 @!p0 $0x100000, s0  }
0xc2: {  	[sflag:s0] =	ssyncadd.tile.s32 @!p0 $0x1;
	_ =	shalt  }
.Lfunc_end2:
_tile_overlayer_lowered:
.L_overlay_start_2:
0xc3: {  	(tag) =	ssettag $0x2  }
0xc4: {  	s0 =	rddreg [dreg:$0x0];
	s2 =	stileid.u32  }
0xc5: {  	s1 =	rddreg [dreg:$0x1];
	p0 =	sne.s32 s2, $0x0  }
0xc6: {  	s3 =	rddreg [dreg:$0x2];
	[bflag:$0x3] =	sbarrier.arrive $0xFFFF;
	s2 =	simm.s32 @!p0 $0x1C01  }
0xc7: {  	[timem:s3], [sflag:s2] =	dma.local @!p0 [hbm:s0], s1  }
0xc8: {  	s0 =	simm.s32 @!p0 $0x1  }
0xc9: {  	_ =	swait.ge @!p0 [sflag:s0], s1  }
0xca: {  	s1 =	ssub.s32 @!p0 $0x0, s1;
	[sflag:s0] =	ssyncset.done @!p0 $0x0  }
0xcb: {  	[sflag:s0] =	ssyncadd.s32 @!p0 s1  }
0xcc: {  	[bflag:$0x3] =	sbarrier.arrive $0xFFFF  }
0xcd: {  	_ =	shalt  }

// kernel: sparse-core-data-format-call.1.cloned.1.call-start
scs
called_computation.1_lowered:
.L_overlay_start_0:
0x0: {  	s2 =	sld [smem:$0x3FD9]  }
0x1: {  	s3 =	sld [smem:$0x3FFE];
	_ =	sdelay $0x1  }
0x2: {  	s1 =	srdreg.scid  }
0x3: {  	s0 =	sand.u32 $0x1, s1  }
0x4: {  	s18 =	sshll.u32 s0, $0xA;
	s2 =	sadd.s32 s3, s2  }
0x5: {  	s2 =	sadd.s32 s2, s18  }
0x6: {  	[smem:$0x3FC5] =	sst s2  }
0x7: {  	_ = 	snop  }
0x8: {  	s2 =	sld [smem:$0x3FC7];
	(tm) =	ssettm $0x1  }
0x9: {  	s19 =	sld [smem:$0x3FFB];
	_ =	sdelay $0x3  }
0xa: {  	_ =	strace s19  }
0xb: {  	s3 =	sld [smem:$0x3FFC];
	_ =	sdelay $0x3  }
0xc: {  	_ =	strace s3  }
0xd: {  	s3 =	sld [smem:$0x3FFD];
	_ =	sdelay $0x3  }
0xe: {  	_ =	strace s3  }
0xf: {  	_ =	strace $0x8FFFFFFF  }
0x10: {  	s20 =	sld [smem:$0x3FDB];
	_ =	sdelay $0x1  }
0x11: {  	s4 =	simm.s32 $_scs_section_size  }
0x12: {  	s5 =	simm.s32 $_size__tile_overlayer_lowered;
	s6 =	simm.s32 $_tile_overlayer_lowered  }
0x13: {  	s23 =	simm.s32 $0x1BFF;
	s22 =	sshll.u32 s6, $0x1;
	s3 =	sadd.s32 s4, s20  }
0x14: {  	s7 =	simm.s32 $0x0;
	s21 =	sshll.u32 s5, $0x1;
	s5 =	sadd.s32 s22, s3  }
0x15: {  	[timem:s7], [sflag:s23] =	dma.local [hbm:s5], s21  }
0x16: {  	_ =	swait.ge [sflag:s23], s21  }
0x17: {  	s4 =	ssub.s32 $0x0, s21;
	[sflag:s23] =	ssyncset.done $0x0  }
0x18: {  	[sflag:s23] =	ssyncadd.s32 s4;
	_ =	sdelay $0x1  }
0x19: {  	s24 =	simm.s32 $0x1B8B  }
0x1a: {  	_ =	swait.ge [sflag:s24], $0x1  }
0x1b: {  	[sflag:s24] =	ssyncset.done $0x0  }
0x1c: {  	s26 =	simm.s32 $0x1B8E;
	s25 =	sld [smem:$0x3FFE];
	[sflag:s24] =	ssyncadd.s32 $0xFFFFFFFF  }
0x1d: {  	s27 =	simm.s32 $execute0_lowered;
	[smem:$0x3FD2] =	sst s26  }
0x1e: {  	s5 =	sshll.u32 s27, $0x1;
	_ =	strace $0x80000046;
	[dreg:$0x1] =	wrdreg $0xFFFFFFFF  }
0x1f: {  	s28 =	simm.s32 $_size_execute0_lowered;
	s3 =	sadd.s32 s3, s5;
	[dreg:$0x0] =	wrdreg $0x0  }
0x20: {  	s5 =	sshll.u32 s28, $0x1;
	[dreg:$0x2] =	wrdreg s3  }
0x21: {  	[dreg:$0x3] =	wrdreg s5  }
0x22: {  	[dreg:$0x4] =	wrdreg $0xC0  }
0x23: {  	_ =	task [dreg:s7], $0x5FFFF  }
0x24: {  	[dreg:$0x1] =	wrdreg $0xFFFFFFFF  }
0x25: {  	[dreg:$0x0] =	wrdreg $0x60  }
0x26: {  	[dreg:$0x2] =	wrdreg s2  }
0x27: {  	[dreg:$0x3] =	wrdreg s25  }
0x28: {  	[dreg:$0x4] =	wrdreg $0x9  }
0x29: {  	_ =	task.clear_ibuf [dreg:s7], $0x5FFFF;
	_ =	strace $0x90000046  }
0x2a: {  	s29 =	simm.s32 $0x9;
	_ =	strace $0x80000048  }
0x2b: {  	_ =	swait.ge [sflag:s29], $0x1  }
0x2c: {  	[sflag:s29] =	ssyncadd.s32 $0xFFFFFFFF  }
0x2d: {  	_ =	strace $0x90000048  }
0x2e: {  	_ =	sfence  }
0x2f: {  	s30 =	sld [smem:$0x0];
	_ =	sdelay $0x2  }
0x30: {  	s31 =	sshll.u32 s1, $0xD;
	s1 =	sshrl.u32 s1, $0x2  }
0x31: {  	s3 =	sand.u32 $0x4000, s31;
	s1 =	sadd.s32 s1, s30  }
0x32: {  	s0 =	sor.u32 s3, s0;
	s1 =	sshll.u32 s1, $0x11  }
0x33: {  	s0 =	sor.u32 s1, s0  }
0x34: {  	s0 =	sadd.s32 $0x8F2B, s0  }
0x35: {  	[sflag:s0] =	ssyncadd.remote.s32 $0x1  }
0x36: {  	_ =	sfence.sel $0xFFFF  }
0x37: {  	[dreg:$0x0] =	wrdreg $0xFFFFFFFF;
	(pc) =	sbr.abs _section_cstart, $3  }
0x38: {  	[dreg:$0x1] =	wrdreg $0xFFFFFFFF  }
0x39: {  	_ =	task.clear_ibuf [dreg:s7], $0x2FFFF;
	_ =	strace $0x9FFFFFFF  }
0x3a: {  	(tm) =	ssettm $0x7FFFFFFF  }
0x3b: {  	_ =	shalt  }
tec
execute0_lowered:
.L_overlay_start_1:
0x0: {  	(tag) =	ssettag $0x1  }
0x1: {  	s2 =	rddreg [dreg:$0x0]  }
0x2: {  	s1 =	rddreg [dreg:$0x1]  }
0x3: {  	s0 =	rddreg [dreg:$0x2];
	_ =	strace $0x80000047;
	s4 =	srdreg.scid  }
0x4: {  	s6 =	simm.s32 $0x2;
	s11 =	simm.s32 $0x0;
	p0 =	por $0x0, $0x0  }
.Ltmp0:
0x5: {  	s7 =	simm.s32 $0x2000;
	s12 =	simm.s32 $0x0;
	(pc) =	sbr.rel .LBB1_1-.Ltmp0, $4  }
0x6: {  	s9 =	simm.s32 $0x0;
	s3 =	sadd.s32 $0x1A00, s1;
	s5 =	sshll.u32 s4, $0x4  }
0x7: {  	s1 =	stileid.u32;
	s4 =	simm.s32 $0x1;
	s5 =	sand.u32 $0x10, s5  }
0x8: {  	s8 =	simm.s32 $0x0;
	[sflag:s4] =	ssyncpa.u1 $0x0;
	s5 =	sor.u32 s1, s5  }
0x9: {  	[sflag:s6] =	ssyncpa.u1 $0x0;
	s6 =	simm.s32 $0x800;
	s10 =	smov.u32 s5  }
.LBB1_7:
0xa: {  	s13 =	sadd.s32 $0x10, s9  }
0xb: {  	s11 =	sadd.s32 $0x20, s10;
	s15 =	smov.u32 s10;
	p2 =	sgt.s32 s13, $0x3F  }
0xc: {  	p1 =	slt.u32 s8, $0x2;
	s15 =	smov.u32 @p2 s11  }
0xd: {  	s8 =	sadd.s32 $0x1, s8;
	s13 =	simm.s32 @p2 $0x0;
	p2 =	sgt.s32 s15, $0x7F  }
0xe: {  	s15 =	smov.u32 @p2 s5;
	p2 =	sne.s32 s8, $0x12  }
.Ltmp1:
0xf: {  	_ = 	snop;
	(pc) =	sbr.rel @!p2 .LBB1_8-.Ltmp1, $4  }
0x10: {  	s14 =	simm.s32 @!p1 $0x2  }
0x11: {  	s12 =	smov.u32 s10;
	_ =	swait.ge @!p1 [sflag:s14], $0x4000  }
0x12: {  	p0 =	por !p0, !p0;
	s11 =	smov.u32 s9;
	[sflag:s14] =	ssyncset.done @!p1 $0x0  }
0x13: {  	s9 =	smov.u32 s13;
	[sflag:s14] =	ssyncadd.s32 @!p1 $0xFFFFC000;
	s10 =	smov.u32 s15  }
.LBB1_1:
0x14: {  	p1 =	sgt.u32 s8, $0xF  }
0x15: {  	s13 =	sxor.u32 @!p1 $0xFFFFFFFF, s8;
	s14 =	sshll.u32 @!p1 s10, $0xD  }
0x16: {  	s15 =	sshll.u32 @!p1 s9, $0x7;
	s13 =	sshll.u32 @!p1 s13, $0xE;
	s14 =	sadd.s32 @!p1 s2, s14  }
0x17: {  	s13 =	sand.u32 @!p1 $0x4000, s13;
	s14 =	sadd.s32 @!p1 s15, s14;
	s15 =	simm.s32 @!p1 $0x0  }
0x18: {  	[tilespmem:s13], [sflag:$0x1] =	stream.linear.gather @!p1 [hbm4b:s14+s15], $0x4000, $0x38;
	[tilespmem:$0x10000] =	vst v63  }
0x19: {  	p1 =	seq.s32 s8, $0x0  }
0x1a: {  	p2 =	seq.s32 @!p1 s8, $0x11  }
0x1b: {  	p1 =	por p1, p2  }
.Ltmp2:
0x1c: {  	_ = 	snop;
	(pc) =	sbr.rel @p1 .LBB1_7-.Ltmp2, $1  }
0x1d: {  	_ =	sdelay $0x3  }
0x1e: {  	s13 =	simm.s32 $0x1;
	_ =	swait.ge [sflag:s4], $0x4000;
	s16 =	sshll.u32 s8, $0xE  }
0x1f: {  	s13 =	simm.s32 @!p0 $0x0;
	[sflag:s4] =	ssyncset.done $0x0;
	s31 =	sand.u32 $0x4000, s16  }
0x20: {  	s16 =	simm.s32 $0x0;
	s14 =	sshll.u32 s13, $0xE;
	[sflag:s4] =	ssyncadd.s32 $0xFFFFC000  }
0x21: {  	s13 =	sor.u32 $0x8040, s14;
	s15 =	sor.u32 $0x40, s14;
	s14 =	sor.u32 $0x8000, s31  }
.LBB1_3:
0x22: {  	v0 =	vmov s15;
	_ =	sdelay $0x3  }
0x23: {  	s18 =	simm.s32 $0x0  }
0x24: {  	v6 =	vld.idx.msk [tilespmem:v0+s18+$0x30 ss:$0x1], $0xffff  }
0x25: {  	v7 =	vld.idx.msk [tilespmem:v0+s18+$0xFFFFFFC0 ss:$0x1], $0xffff  }
0x26: {  	v5 =	vld.idx.msk [tilespmem:v0+s18+$0xFFFFFFD0 ss:$0x1], $0xffff  }
0x27: {  	v4 =	vld.idx.msk [tilespmem:v0+s18+$0xFFFFFFE0 ss:$0x1], $0xffff  }
0x28: {  	v3 =	vld.idx.msk [tilespmem:v0+s18+$0xFFFFFFF0 ss:$0x1], $0xffff  }
0x29: {  	v1 =	vld.idx.msk [tilespmem:v0+s18+$0x0 ss:$0x1], $0xffff  }
0x2a: {  	v2 =	vld.idx.msk [tilespmem:v0+s18+$0x10 ss:$0x1], $0xffff;
	[tilespmem:s13+$0x30] =	vst v6  }
0x2b: {  	s17 =	simm.s32 $0x80;
	s19 =	simm.s32 $0x400;
	[tilespmem:s13+$0xFFFFFFC0] =	vst v7;
	v6 =	vld.idx.msk [tilespmem:v0+s18+$0x20 ss:$0x1], $0xffff;
	s18 =	smov.u32 s13  }
.LBB1_4:
0x2c: {  	p1 =	sne.s32 s19, $0xE00;
	v7 =	vld.idx.msk [tilespmem:v0+s17+$0x30 ss:$0x1], $0xffff;
	[tilespmem:s18+$0xFFFFFFD0] =	vst v5  }
0x2d: {  	v8 =	vld.idx.msk [tilespmem:v0+s17+$0xFFFFFFC0 ss:$0x1], $0xffff;
	[tilespmem:s18+$0xFFFFFFE0] =	vst v4  }
0x2e: {  	v5 =	vld.idx.msk [tilespmem:v0+s17+$0xFFFFFFD0 ss:$0x1], $0xffff;
	[tilespmem:s18+$0xFFFFFFF0] =	vst v3  }
.Ltmp3:
0x2f: {  	v4 =	vld.idx.msk [tilespmem:v0+s17+$0xFFFFFFE0 ss:$0x1], $0xffff;
	[tilespmem:s18+$0x0] =	vst v1;
	(pc) =	sbr.rel @p1 .LBB1_4-.Ltmp3, $4  }
0x30: {  	v3 =	vld.idx.msk [tilespmem:v0+s17+$0xFFFFFFF0 ss:$0x1], $0xffff;
	[tilespmem:s18+$0x10] =	vst v2  }
0x31: {  	v1 =	vld.idx.msk [tilespmem:v0+s17+$0x0 ss:$0x1], $0xffff;
	[tilespmem:s18+$0x20] =	vst v6;
	s18 =	sadd.s32 $0x800, s18  }
0x32: {  	v2 =	vld.idx.msk [tilespmem:v0+s17+$0x10 ss:$0x1], $0xffff;
	[tilespmem:s18+$0x30] =	vst v7  }
0x33: {  	[tilespmem:s18+$0xFFFFFFC0] =	vst v8;
	v6 =	vld.idx.msk [tilespmem:v0+s17+$0x20 ss:$0x1], $0xffff;
	s17 =	sshra.s32 s19, $0x2;
	s19 =	sadd.s32 $0x200, s19  }
0x34: {  	_ =	sdelay $0x2  }
0x35: {  	[tilespmem:s18+$0xFFFFFFD0] =	vst v5  }
0x36: {  	v56 =	vld.idx.msk [tilespmem:v0+s17+$0x30 ss:$0x1], $0xffff;
	[tilespmem:s18+$0xFFFFFFE0] =	vst v4  }
0x37: {  	v57 =	vld.idx.msk [tilespmem:v0+s17+$0xFFFFFFC0 ss:$0x1], $0xffff;
	[tilespmem:s18+$0xFFFFFFF0] =	vst v3  }
0x38: {  	v58 =	vld.idx.msk [tilespmem:v0+s17+$0xFFFFFFD0 ss:$0x1], $0xffff;
	[tilespmem:s18+$0x0] =	vst v1  }
0x39: {  	v59 =	vld.idx.msk [tilespmem:v0+s17+$0xFFFFFFE0 ss:$0x1], $0xffff;
	[tilespmem:s18+$0x10] =	vst v2  }
0x3a: {  	v60 =	vld.idx.msk [tilespmem:v0+s17+$0xFFFFFFF0 ss:$0x1], $0xffff;
	s31 =	sadd.s32 $0x800, s18;
	[tilespmem:s18+$0x20] =	vst v6  }
0x3b: {  	v61 =	vld.idx.msk [tilespmem:v0+s17+$0x0 ss:$0x1], $0xffff;
	[tilespmem:s31+$0x30] =	vst v56  }
0x3c: {  	v62 =	vld.idx.msk [tilespmem:v0+s17+$0x10 ss:$0x1], $0xffff;
	s16 =	sadd.s32 $0x1, s16;
	[tilespmem:s31+$0xFFFFFFC0] =	vst v57  }
0x3d: {  	v63 =	vld.idx.msk [tilespmem:v0+s17+$0x20 ss:$0x1], $0xffff;
	p1 =	sne.s32 s16, $0x10;
	[tilespmem:s31+$0xFFFFFFD0] =	vst v58  }
.Ltmp4:
0x3e: {  	[tilespmem:s31+$0xFFFFFFE0] =	vst v59;
	(pc) =	sbr.rel @p1 .LBB1_3-.Ltmp4, $4  }
0x3f: {  	[tilespmem:s31+$0xFFFFFFF0] =	vst v60  }
0x40: {  	[tilespmem:s31+$0x0] =	vst v61  }
0x41: {  	[tilespmem:s31+$0x10] =	vst v62  }
0x42: {  	s13 =	sadd.s32 $0x80, s13;
	s15 =	sadd.s32 $0x400, s15;
	[tilespmem:s31+$0x20] =	vst v63  }
.Ltmp5:
0x43: {  	(pc) =	sbr.rel .LBB1_7-.Ltmp5, $4  }
0x44: {  	s12 =	sshll.u32 s12, $0xD;
	s11 =	sshll.u32 s11, $0x4  }
0x45: {  	s11 =	sand.u32 $0x3F0, s11;
	s12 =	sadd.s32 s3, s12  }
0x46: {  	s11 =	sadd.s32 s11, s12  }
0x47: {  	[hbm4b:s11+s6] =	stream.strided.scatter [tilespmem:s14], [sflag:$0x2], $0x4000, s7, s6, $0x38;
	[tilespmem:$0x10000] =	vst v63  }
.LBB1_8:
0x48: {  	_ =	sfence.sel $0x180000  }
0x49: {  	s2 =	simm.s32 $0x1;
	[bflag:$0x0] =	sbarrier.arrive $0xFFFF  }
0x4a: {  	s31 =	simm.s32 $0x2;
	[sflag:s2] =	ssyncpa.u1 $0x1  }
0x4b: {  	[sflag:s31] =	ssyncpa.u1 $0x1  }
0x4c: {  	p0 =	sne.s32 s1, $0x0;
	_ =	strace $0x90000047  }
0x4d: {  	s0 =	sadd.s32 @!p0 $0x100000, s0;
	[bflag:$0x2] =	sbarrier.arrive $0xFFFF  }
0x4e: {  	[sflag:s0] =	ssyncadd.tile.s32 @!p0 $0x1;
	_ =	shalt  }
.Lfunc_end1:
_tile_overlayer_lowered:
.L_overlay_start_2:
0x4f: {  	(tag) =	ssettag $0x2  }
0x50: {  	s0 =	rddreg [dreg:$0x0];
	s2 =	stileid.u32  }
0x51: {  	s1 =	rddreg [dreg:$0x1];
	p0 =	sne.s32 s2, $0x0  }
0x52: {  	s3 =	rddreg [dreg:$0x2];
	[bflag:$0x3] =	sbarrier.arrive $0xFFFF;
	s2 =	simm.s32 @!p0 $0x1C01  }
0x53: {  	[timem:s3], [sflag:s2] =	dma.local @!p0 [hbm:s0], s1  }
0x54: {  	s0 =	simm.s32 @!p0 $0x1  }
0x55: {  	_ =	swait.ge @!p0 [sflag:s0], s1  }
0x56: {  	s1 =	ssub.s32 @!p0 $0x0, s1;
	[sflag:s0] =	ssyncset.done @!p0 $0x0  }
0x57: {  	[sflag:s0] =	ssyncadd.s32 @!p0 s1  }
0x58: {  	[bflag:$0x3] =	sbarrier.arrive $0xFFFF  }
0x59: {  	_ =	shalt  }

// kernel: sparse-core-data-format-call.cloned.1.call-start
scs
called_computation_lowered:
.L_overlay_start_0:
0x0: {  	s2 =	sld [smem:$0x3FD9]  }
0x1: {  	s3 =	sld [smem:$0x3FFE];
	_ =	sdelay $0x1  }
0x2: {  	s1 =	srdreg.scid  }
0x3: {  	s0 =	sand.u32 $0x1, s1  }
0x4: {  	s15 =	sshll.u32 s0, $0xA;
	s2 =	sadd.s32 s3, s2  }
0x5: {  	s2 =	sadd.s32 s2, s15  }
0x6: {  	[smem:$0x3FC5] =	sst s2  }
0x7: {  	_ = 	snop  }
0x8: {  	s2 =	sld [smem:$0x3FD0];
	_ =	sdelay $0x2  }
0x9: {  	s16 =	simm.s32 $0xB;
	s4 =	simm.s32 $0x10  }
0xa: {  	[smem:s4], [sflag:s16] =	dma.local [hbm:s2], $0x1  }
0xb: {  	_ =	swait.eq [sflag:s16], $0x1  }
0xc: {  	[sflag:s16] =	ssyncset.done $0x0  }
0xd: {  	[sflag:s16] =	ssyncadd.s32 $0xFFFFFFFF  }
0xe: {  	s17 =	sld [smem:$0x11];
	(tm) =	ssettm $0x1  }
0xf: {  	s18 =	sld [smem:$0x3FFB];
	_ =	sdelay $0x3  }
0x10: {  	_ =	strace s18  }
0x11: {  	s3 =	sld [smem:$0x3FFC];
	_ =	sdelay $0x3  }
0x12: {  	_ =	strace s3  }
0x13: {  	s3 =	sld [smem:$0x3FFD];
	_ =	sdelay $0x3  }
0x14: {  	_ =	strace s3  }
0x15: {  	_ =	strace $0x8FFFFFFF  }
0x16: {  	s19 =	sld [smem:$0x3FDB];
	_ =	sdelay $0x1  }
0x17: {  	s20 =	simm.s32 $_scs_section_size  }
0x18: {  	s5 =	simm.s32 $_size__tile_overlayer_lowered;
	s6 =	simm.s32 $_tile_overlayer_lowered  }
0x19: {  	s23 =	simm.s32 $0x1BFF;
	s22 =	sshll.u32 s6, $0x1;
	s3 =	sadd.s32 s20, s19  }
0x1a: {  	s7 =	simm.s32 $0x0;
	s21 =	sshll.u32 s5, $0x1;
	s5 =	sadd.s32 s22, s3  }
0x1b: {  	[timem:s7], [sflag:s23] =	dma.local [hbm:s5], s21  }
0x1c: {  	_ =	swait.ge [sflag:s23], s21  }
0x1d: {  	s4 =	ssub.s32 $0x0, s21;
	[sflag:s23] =	ssyncset.done $0x0  }
0x1e: {  	[sflag:s23] =	ssyncadd.s32 s4;
	_ =	sdelay $0x1  }
0x1f: {  	s24 =	simm.s32 $0x1B8B  }
0x20: {  	_ =	swait.ge [sflag:s24], $0x1  }
0x21: {  	[sflag:s24] =	ssyncset.done $0x0  }
0x22: {  	s26 =	simm.s32 $0x1B8E;
	s25 =	sld [smem:$0x3FFE];
	[sflag:s24] =	ssyncadd.s32 $0xFFFFFFFF  }
0x23: {  	s27 =	simm.s32 $execute0_lowered;
	[smem:$0x3FD2] =	sst s26  }
0x24: {  	s5 =	sshll.u32 s27, $0x1;
	_ =	strace $0x8000004F;
	[dreg:$0x1] =	wrdreg $0xFFFFFFFF  }
0x25: {  	s28 =	simm.s32 $_size_execute0_lowered;
	s3 =	sadd.s32 s3, s5;
	[dreg:$0x0] =	wrdreg $0x0  }
0x26: {  	s5 =	sshll.u32 s28, $0x1;
	[dreg:$0x2] =	wrdreg s3  }
0x27: {  	[dreg:$0x3] =	wrdreg s5  }
0x28: {  	[dreg:$0x4] =	wrdreg $0xC0  }
0x29: {  	_ =	task [dreg:s7], $0x5FFFF  }
0x2a: {  	[dreg:$0x1] =	wrdreg $0xFFFFFFFF  }
0x2b: {  	[dreg:$0x0] =	wrdreg $0x60  }
0x2c: {  	[dreg:$0x2] =	wrdreg s25  }
0x2d: {  	[dreg:$0x3] =	wrdreg s17  }
0x2e: {  	[dreg:$0x4] =	wrdreg $0x9  }
0x2f: {  	_ =	task.clear_ibuf [dreg:s7], $0x5FFFF;
	_ =	strace $0x9000004F  }
0x30: {  	s29 =	simm.s32 $0x9;
	_ =	strace $0x80000051  }
0x31: {  	_ =	swait.ge [sflag:s29], $0x1  }
0x32: {  	[sflag:s29] =	ssyncadd.s32 $0xFFFFFFFF  }
0x33: {  	_ =	strace $0x90000051  }
0x34: {  	_ =	sfence  }
0x35: {  	s30 =	sld [smem:$0x0];
	_ =	sdelay $0x2  }
0x36: {  	s31 =	sshll.u32 s1, $0xD;
	s1 =	sshrl.u32 s1, $0x2  }
0x37: {  	s3 =	sand.u32 $0x4000, s31;
	s1 =	sadd.s32 s1, s30  }
0x38: {  	s0 =	sor.u32 s3, s0;
	s1 =	sshll.u32 s1, $0x11  }
0x39: {  	s0 =	sor.u32 s1, s0  }
0x3a: {  	s0 =	sadd.s32 $0x8F2B, s0  }
0x3b: {  	[sflag:s0] =	ssyncadd.remote.s32 $0x1  }
0x3c: {  	_ =	sfence.sel $0xFFFF  }
0x3d: {  	[dreg:$0x0] =	wrdreg $0xFFFFFFFF;
	(pc) =	sbr.abs _section_cstart, $3  }
0x3e: {  	[dreg:$0x1] =	wrdreg $0xFFFFFFFF  }
0x3f: {  	_ =	task.clear_ibuf [dreg:s7], $0x2FFFF;
	_ =	strace $0x9FFFFFFF  }
0x40: {  	(tm) =	ssettm $0x7FFFFFFF  }
0x41: {  	_ =	shalt  }
tec
execute0_lowered:
.L_overlay_start_1:
0x0: {  	(tag) =	ssettag $0x1  }
0x1: {  	s1 =	srdreg.scid;
	s10 =	rddreg [dreg:$0x0]  }
0x2: {  	s0 =	stileid.u32;
	s2 =	rddreg [dreg:$0x1]  }
0x3: {  	s5 =	simm.s32 $0x1;
	s8 =	simm.s32 $0x2;
	s17 =	simm.s32 $0x0  }
0x4: {  	s12 =	simm.s32 $0x4000;
	s18 =	simm.s32 $0x0;
	s1 =	sshll.u32 s1, $0x4  }
0x5: {  	s19 =	simm.s32 $0x0;
	s13 =	simm.s32 $0x0;
	s3 =	sor.u32 s0, s1  }
0x6: {  	s1 =	rddreg [dreg:$0x2];
	_ =	strace $0x80000050;
	s3 =	sand.u32 $0x1C, s3  }
0x7: {  	s16 =	simm.s32 $0x0;
	[sflag:s5] =	ssyncpa.u1 $0x0;
	s6 =	ssub.s32 $0x100, s3  }
0x8: {  	s4 =	sadd.s32 $0x1A00, s10;
	[sflag:s8] =	ssyncpa.u1 $0x0;
	s7 =	sand.u32 $0x1C, s6  }
.Ltmp0:
0x9: {  	p0 =	sne.s32 s7, $0x0;
	s7 =	simm.s32 $0x1;
	(pc) =	sbr.rel .LBB1_1-.Ltmp0, $4  }
0xa: {  	s8 =	sadd.s32 $0x9A00, s10;
	s9 =	sshrl.u32 s6, $0x5;
	s7 =	simm.s32 @!p0 $0x0  }
0xb: {  	s14 =	smov.u32 s3;
	s6 =	sand.u32 $0x3, s0;
	s7 =	sadd.s32 s7, s9  }
0xc: {  	s15 =	smov.u32 s6;
	p0 =	por $0x0, $0x0;
	s7 =	sshll.u32 s7, $0x4  }
0xd: {  	s9 =	sadd.s32 $0x11A00, s10;
	s10 =	sadd.s32 $0x19A00, s10;
	s11 =	sor.u32 $0x1, s7  }
.LBB1_7:
0xe: {  	s20 =	sadd.s32 $0x80, s13  }
0xf: {  	s17 =	sadd.s32 $0x20, s14;
	s21 =	smov.u32 s14;
	p2 =	sgt.s32 s20, $0x7FF  }
0x10: {  	s21 =	smov.u32 @p2 s17  }
0x11: {  	s23 =	smov.u32 s15;
	s17 =	sadd.s32 $0x4, s15;
	p3 =	sgt.s32 s21, $0xFF  }
0x12: {  	s23 =	smov.u32 @p3 s17  }
0x13: {  	s20 =	simm.s32 @p2 $0x0;
	p2 =	sgt.s32 s23, $0x3  }
0x14: {  	p1 =	slt.u32 s16, $0x2;
	s23 =	smov.u32 @p2 s6;
	p2 =	sne.s32 s16, s11  }
.Ltmp1:
0x15: {  	s22 =	simm.s32 @!p1 $0x2;
	(pc) =	sbr.rel @!p2 .LBB1_8-.Ltmp1, $4  }
0x16: {  	s18 =	smov.u32 s14;
	s19 =	smov.u32 s15;
	_ =	swait.ge @!p1 [sflag:s22], $0x4000  }
0x17: {  	p0 =	por !p0, !p0;
	[sflag:s22] =	ssyncset.done @!p1 $0x0;
	s21 =	smov.u32 @p3 s3  }
0x18: {  	s17 =	smov.u32 s13;
	[sflag:s22] =	ssyncadd.s32 @!p1 $0xFFFFC000;
	s13 =	smov.u32 s20  }
0x19: {  	s14 =	smov.u32 s21;
	s16 =	sadd.s32 $0x1, s16;
	s15 =	smov.u32 s23  }
.LBB1_1:
0x1a: {  	p1 =	sge.u32 s16, s7  }
0x1b: {  	s20 =	sxor.u32 @!p1 $0xFFFFFFFF, s16;
	s21 =	sshll.u32 @!p1 s15, $0x17;
	s22 =	sshll.u32 @!p1 s14, $0xF  }
0x1c: {  	s24 =	sshll.u32 @!p1 s13, $0x4;
	s25 =	simm.s32 @!p1 $0x20;
	s23 =	sadd.s32 @!p1 s21, s22  }
0x1d: {  	s20 =	sshll.u32 @!p1 s20, $0xE;
	s24 =	sand.u32 @!p1 $0x7FF0, s24;
	s23 =	sadd.s32 @!p1 s4, s23  }
0x1e: {  	s26 =	simm.s32 @!p1 $0x80;
	s20 =	sand.u32 @!p1 $0x4000, s20;
	s23 =	sadd.s32 @!p1 s24, s23  }
0x1f: {  	[tilespmem:s20], [sflag:$0x1] =	stream.strided.gather @!p1 [hbm4b:s23+s25], $0x1000, s26, s25, $0x38;
	[tilespmem:$0x10100] =	vst v63  }
0x20: {  	s23 =	sadd.s32 @!p1 s21, s8  }
0x21: {  	s23 =	sadd.s32 @!p1 s22, s23  }
0x22: {  	s27 =	sor.u32 @!p1 $0x1000, s20;
	s23 =	sadd.s32 @!p1 s24, s23  }
0x23: {  	[tilespmem:s27], [sflag:$0x1] =	stream.strided.gather @!p1 [hbm4b:s23+s25], $0x1000, s26, s25, $0x38;
	[tilespmem:$0x10100] =	vst v63  }
0x24: {  	s23 =	sadd.s32 @!p1 s21, s9  }
0x25: {  	s21 =	sadd.s32 @!p1 s21, s10;
	s23 =	sadd.s32 @!p1 s22, s23  }
0x26: {  	s27 =	sor.u32 @!p1 $0x2000, s20;
	s21 =	sadd.s32 @!p1 s22, s21;
	s23 =	sadd.s32 @!p1 s24, s23  }
0x27: {  	[tilespmem:s27], [sflag:$0x1] =	stream.strided.gather @!p1 [hbm4b:s23+s25], $0x1000, s26, s25, $0x38;
	[tilespmem:$0x10100] =	vst v63  }
0x28: {  	s31 =	sadd.s32 $0xFFFFFFFF, s16;
	s20 =	sor.u32 @!p1 $0x3000, s20;
	s21 =	sadd.s32 @!p1 s24, s21  }
0x29: {  	[tilespmem:s20], [sflag:$0x1] =	stream.strided.gather @!p1 [hbm4b:s21+s25], $0x1000, s26, s25, $0x38;
	[tilespmem:$0x10100] =	vst v63  }
0x2a: {  	p1 =	sge.u32 s31, s7  }
.Ltmp2:
0x2b: {  	_ = 	snop;
	(pc) =	sbr.rel @p1 .LBB1_7-.Ltmp2, $1  }
0x2c: {  	_ =	sdelay $0x3  }
0x2d: {  	s20 =	simm.s32 $0x1;
	s22 =	sand.u32 $0x1, s16  }
0x2e: {  	_ =	swait.ge [sflag:s5], $0x4000;
	s20 =	simm.s32 @!p0 $0x0;
	s23 =	smul.u32 $0x10200, s22  }
0x2f: {  	[sflag:s5] =	ssyncset.done $0x0;
	s21 =	smul.u32 $0x10200, s20  }
0x30: {  	s20 =	sshll.u32 s20, $0xE;
	[sflag:s5] =	ssyncadd.s32 $0xFFFFC000  }
0x31: {  	s22 =	sor.u32 $0x10, s20;
	s31 =	sshrl.u32 s23, $0x2;
	s21 =	sshrl.u32 s21, $0x2  }
0x32: {  	s23 =	simm.s32 $0x0;
	s20 =	sor.u32 $0x8000, s31;
	s21 =	sor.u32 $0x8000, s21  }
.LBB1_3:
0x33: {  	v1 =	vld [tilespmem:s22+$0x0]  }
0x34: {  	v0 =	vld [tilespmem:s22+$0xFFFFFFF0];
	_ =	sdelay $0x2  }
0x35: {  	s26 =	sadd.s32 $0x0, s21  }
0x36: {  	s24 =	simm.s32 $0x4;
	s25 =	sadd.s32 $0x20, s22;
	[tilespmem:s26+$0x810 ss:$0x81] =	vst.msk $0xffff, v1  }
.LBB1_4:
0x37: {  	v1 =	vld [tilespmem:s25+$0x0];
	p1 =	sne.s32 s24, $0x1FC;
	[tilespmem:s26+$0x0 ss:$0x81] =	vst.msk $0xffff, v0;
	s26 =	smov.u32 s24;
	s24 =	sadd.s32 $0x4, s24  }
.Ltmp3:
0x38: {  	v0 =	vld [tilespmem:s25+$0xFFFFFFF0];
	(pc) =	sbr.rel @p1 .LBB1_4-.Ltmp3, $4  }
0x39: {  	_ = 	snop  }
0x3a: {  	s26 =	sshra.s32 s26, $0x2  }
0x3b: {  	s26 =	sadd.s32 s26, s21  }
0x3c: {  	s25 =	sadd.s32 $0x20, s25;
	[tilespmem:s26+$0x810 ss:$0x81] =	vst.msk $0xffff, v1  }
0x3d: {  	s23 =	sadd.s32 $0x1, s23  }
0x3e: {  	p1 =	sne.s32 s23, $0x4  }
.Ltmp4:
0x3f: {  	_ = 	snop;
	(pc) =	sbr.rel @p1 .LBB1_3-.Ltmp4, $2  }
0x40: {  	_ =	sdelay $0x2  }
0x41: {  	[tilespmem:s26+$0x0 ss:$0x81] =	vst.msk $0xffff, v0;
	s21 =	sadd.s32 $0x1020, s21;
	s22 =	sadd.s32 $0x1000, s22  }
0x42: {  	s21 =	sshll.u32 s17, $0x3;
	s22 =	sand.u32 $0x78, s17  }
0x43: {  	s19 =	sshll.u32 s19, $0x15;
	s18 =	sshll.u32 s18, $0xD;
	s29 =	sand.u32 $0x1F00, s17  }
.Ltmp5:
0x44: {  	s21 =	sand.u32 $0x400, s21;
	s19 =	sadd.s32 s2, s19;
	(pc) =	sbr.rel .LBB1_7-.Ltmp5, $4  }
0x45: {  	s30 =	sand.u32 $0x7, s17;
	s21 =	sor.u32 s22, s21;
	s18 =	sadd.s32 s18, s19  }
0x46: {  	s17 =	sshll.u32 s30, $0x12;
	s31 =	sshrl.u32 s21, $0x3;
	s18 =	sadd.s32 s29, s18  }
0x47: {  	s17 =	sor.u32 $0x400, s17;
	s18 =	sadd.s32 s31, s18  }
0x48: {  	[hbm4b:s18+s17] =	stream.strided.scatter [tilespmem:s20], [sflag:$0x2], $0x4000, s12, s17, $0x20;
	[tilespmem:$0x10100] =	vst v63  }
.LBB1_8:
0x49: {  	_ =	sfence.sel $0x180000  }
0x4a: {  	s2 =	simm.s32 $0x1;
	[bflag:$0x0] =	sbarrier.arrive $0xFFFF  }
0x4b: {  	s31 =	simm.s32 $0x2;
	[sflag:s2] =	ssyncpa.u1 $0x1  }
0x4c: {  	[sflag:s31] =	ssyncpa.u1 $0x1  }
0x4d: {  	p0 =	sne.s32 s0, $0x0;
	_ =	strace $0x90000050  }
0x4e: {  	s0 =	sadd.s32 @!p0 $0x100000, s1;
	[bflag:$0x2] =	sbarrier.arrive $0xFFFF  }
0x4f: {  	[sflag:s0] =	ssyncadd.tile.s32 @!p0 $0x1;
	_ =	shalt  }
.Lfunc_end1:
_tile_overlayer_lowered:
.L_overlay_start_2:
0x50: {  	(tag) =	ssettag $0x2  }
0x51: {  	s0 =	rddreg [dreg:$0x0];
	s2 =	stileid.u32  }
0x52: {  	s1 =	rddreg [dreg:$0x1];
	p0 =	sne.s32 s2, $0x0  }
0x53: {  	s3 =	rddreg [dreg:$0x2];
	[bflag:$0x3] =	sbarrier.arrive $0xFFFF;
	s2 =	simm.s32 @!p0 $0x1C01  }
0x54: {  	[timem:s3], [sflag:s2] =	dma.local @!p0 [hbm:s0], s1  }
0x55: {  	s0 =	simm.s32 @!p0 $0x1  }
0x56: {  	_ =	swait.ge @!p0 [sflag:s0], s1  }
0x57: {  	s1 =	ssub.s32 @!p0 $0x0, s1;
	[sflag:s0] =	ssyncset.done @!p0 $0x0  }
0x58: {  	[sflag:s0] =	ssyncadd.s32 @!p0 s1  }
0x59: {  	[bflag:$0x3] =	sbarrier.arrive $0xFFFF  }
0x5a: {  	_ =	shalt  }

</sc_bundles>
